<compile_context>
chip_gen: v7x
topology: tpu7x:2x2x1
jax: 0.10.2.dev20260603
libtpu: 0.0.44.dev20260713+nightly
codegen_flags: <defaults>
</compile_context>

<pallas_src>
import functools
import math

import jax
import jax.numpy as jnp
from jax import lax
from jax.experimental import pallas as pl
from jax.experimental.pallas import tpu as pltpu
from jax.experimental.pallas import tpu_sc as plsc

_CUTOFF = 5.0


def _zcol_sc(z, col, N, E):
    NW = 32
    EPW = E // NW
    mesh = plsc.VectorSubcoreMesh(core_axis_name="c", subcore_axis_name="s")

    @functools.partial(
        pl.kernel,
        out_type=jax.ShapeDtypeStruct((E,), jnp.int32),
        mesh=mesh,
        scratch_types=[pltpu.VMEM((N,), jnp.int32),
                       pltpu.VMEM((EPW,), jnp.int32),
                       pltpu.VMEM((EPW,), jnp.int32)],
        compiler_params=pltpu.CompilerParams(needs_layout_passes=False),
    )
    def k(z_hbm, col_hbm, zcol_hbm, z_v, col_v, out_v):
        wid = lax.axis_index("c") * 16 + lax.axis_index("s")
        base = wid * EPW
        pltpu.sync_copy(z_hbm, z_v)
        pltpu.sync_copy(col_hbm.at[pl.ds(base, EPW)], col_v)

        def body(j, carry):
            idx = col_v[pl.ds(j * 16, 16)]
            out_v[pl.ds(j * 16, 16)] = plsc.load_gather(z_v, [idx])
            return carry

        lax.fori_loop(0, EPW // 16, body, 0)
        pltpu.sync_copy(out_v, zcol_hbm.at[pl.ds(base, EPW)])

    return k(z, col)


def _encode_tc(ew128, zc128, EB):
    def body(ew_ref, zc_ref, v_ref):
        ew = ew_ref[...]
        c = 0.5 * (jnp.cos(ew * (math.pi / _CUTOFF)) + 1.0)
        c = jnp.where(ew < _CUTOFF, c, 0.0)
        v_ref[...] = zc_ref[...].astype(jnp.float32) + (0.25 + 0.5 * c)

    return pl.pallas_call(
        body,
        out_shape=jax.ShapeDtypeStruct((EB, 128), jnp.float32),
    )(ew128, zc128)


def _msg_tc(v8, ea, WdT, b2, embp, EH, R, H, ZP, OFFB):
    BE = 3200
    NB = EH // BE

    def body(v_ref, ea_ref, wd_ref, b_ref, emb_ref, out_ref):
        v = v_ref[...]
        v3 = lax.broadcast_in_dim(v, (BE // 8, 8, ZP), (0, 1))
        zcf3 = jnp.floor(v3)
        c2 = jnp.reshape((v3 - zcf3 - 0.25) * 2.0, (BE, ZP))
        onehot = jnp.reshape(
            (zcf3.astype(jnp.int32) ==
             lax.broadcasted_iota(jnp.int32, (BE // 8, 8, ZP), 2)
             ).astype(jnp.float32), (BE, ZP))
        mm = jnp.dot(ea_ref[...], wd_ref[...], preferred_element_type=jnp.float32)
        g = jnp.dot(onehot, emb_ref[...], preferred_element_type=jnp.float32)
        out_ref[...] = (mm + b_ref[...]) * c2 * g

    return pl.pallas_call(
        body,
        grid=(NB,),
        in_specs=[pl.BlockSpec((BE // 8, 8), lambda i: (i + OFFB, 0)),
                  pl.BlockSpec((BE, R), lambda i: (i + OFFB, 0)),
                  pl.BlockSpec((R, H), lambda i: (0, 0)),
                  pl.BlockSpec((1, H), lambda i: (0, 0)),
                  pl.BlockSpec((ZP, H), lambda i: (0, 0))],
        out_specs=pl.BlockSpec((BE, H), lambda i: (i, 0)),
        out_shape=jax.ShapeDtypeStruct((EH, H), jnp.float32),
    )(v8, ea, WdT, b2, embp)


def _scatter_sc(msg, row, zeros_nh, NP, EH, H, ROFF):
    CH = 128
    NCHUNK = EH // CH
    NW = 32
    iters = (NCHUNK + NW - 1) // NW
    RPT = NP // 16
    mesh = plsc.VectorSubcoreMesh(core_axis_name="c", subcore_axis_name="s")

    @functools.partial(
        pl.kernel,
        out_type=jax.ShapeDtypeStruct((2, NP, H), jnp.float32),
        mesh=mesh,
        scratch_types=[pltpu.VMEM_SHARED((NP, H), jnp.float32),
                       pltpu.VMEM((2, CH, H), jnp.float32),
                       pltpu.VMEM((2, CH), jnp.int32),
                       pltpu.SemaphoreType.DMA,
                       pltpu.SemaphoreType.DMA],
        compiler_params=pltpu.CompilerParams(needs_layout_passes=False),
    )
    def k(msg_hbm, row_hbm, zero_hbm, out_hbm, aggr_sh, msg_v, idx_v, sem0, sem1):
        cid = lax.axis_index("c")
        sid = lax.axis_index("s")
        wid = cid * 16 + sid
        sems = (sem0, sem1)

        def start(t, b):
            off = (wid + t * NW) * CH
            pltpu.async_copy(row_hbm.at[pl.ds(ROFF + off, CH)], idx_v.at[b], sems[b])
            pltpu.async_copy(msg_hbm.at[pl.ds(off, CH)], msg_v.at[b], sems[b])

        def wait_and_scatter(b):
            pltpu.make_async_copy(row_hbm.at[pl.ds(0, CH)], idx_v.at[b], sems[b]).wait()
            pltpu.make_async_copy(msg_hbm.at[pl.ds(0, CH)], msg_v.at[b], sems[b]).wait()
            pltpu.sync_copy(msg_v.at[b], aggr_sh.at[idx_v.at[b]], add=True)

        pltpu.sync_copy(zero_hbm.at[pl.ds(sid * RPT, RPT)],
                        aggr_sh.at[pl.ds(sid * RPT, RPT)])
        plsc.subcore_barrier()
        start(0, 0)

        def body(tt, carry):
            for b in (0, 1):
                t = tt * 2 + b
                chunk = wid + t * NW

                @pl.when(wid + (t + 1) * NW < NCHUNK)
                def _():
                    start(t + 1, 1 - b)

                @pl.when(chunk < NCHUNK)
                def _():
                    wait_and_scatter(b)

            return carry

        lax.fori_loop(0, (iters + 1) // 2, body, 0)
        plsc.subcore_barrier()
        pltpu.sync_copy(aggr_sh.at[pl.ds(sid * RPT, RPT)],
                        out_hbm.at[cid, pl.ds(sid * RPT, RPT)])

    return k(msg, row, zeros_nh)


def _combine_tc(x, pa, pb, W1T, W2T, b2, N, H):
    BN = 400
    NB = N // BN

    def body(x_ref, pa0_ref, pa1_ref, pb0_ref, pb1_ref, w1_ref, w2_ref, b_ref,
             out_ref):
        aggr = (pa0_ref[0] + pa1_ref[0]) + (pb0_ref[0] + pb1_ref[0])
        out_ref[...] = (
            jnp.dot(x_ref[...], w1_ref[...], preferred_element_type=jnp.float32)
            + jnp.dot(aggr, w2_ref[...], preferred_element_type=jnp.float32)
            + b_ref[...])

    return pl.pallas_call(
        body,
        grid=(NB,),
        in_specs=[pl.BlockSpec((BN, H), lambda i: (i, 0)),
                  pl.BlockSpec((1, BN, H), lambda i: (0, i, 0)),
                  pl.BlockSpec((1, BN, H), lambda i: (1, i, 0)),
                  pl.BlockSpec((1, BN, H), lambda i: (0, i, 0)),
                  pl.BlockSpec((1, BN, H), lambda i: (1, i, 0)),
                  pl.BlockSpec((H, H), lambda i: (0, 0)),
                  pl.BlockSpec((H, H), lambda i: (0, 0)),
                  pl.BlockSpec((1, H), lambda i: (0, 0))],
        out_specs=pl.BlockSpec((BN, H), lambda i: (i, 0)),
        out_shape=jax.ShapeDtypeStruct((N, H), jnp.float32),
    )(x, pa, pa, pb, pb, W1T, W2T, b2)


def kernel(z, x, edge_index, edge_weight, edge_attr, emb, W_dist, b_dist, W_comb, b_comb):
    N, H = x.shape
    E = edge_weight.shape[0]
    R = edge_attr.shape[1]
    row = edge_index[0].astype(jnp.int32)
    col = edge_index[1].astype(jnp.int32)
    zcol = _zcol_sc(z.astype(jnp.int32), col, N, E)
    MZ = emb.shape[0]
    ZP = ((MZ + 127) // 128) * 128
    embp = jnp.zeros((ZP, H), emb.dtype).at[:MZ].set(emb)
    v = _encode_tc(edge_weight.reshape(E // 128, 128),
                   zcol.reshape(E // 128, 128), E // 128)
    NP = ((N + 127) // 128) * 128
    zeros_nh = jnp.zeros((NP, H), jnp.float32)
    v8 = v.reshape(E // 8, 8)
    WdT = W_dist.T
    b2 = b_dist.reshape(1, H)
    EH = E // 2
    OFFB = EH // 3200
    msg_a = _msg_tc(v8, edge_attr, WdT, b2, embp, EH, R, H, ZP, 0)
    p_a = _scatter_sc(msg_a, row, zeros_nh, NP, EH, H, 0)
    msg_b = _msg_tc(v8, edge_attr, WdT, b2, embp, EH, R, H, ZP, OFFB)
    p_b = _scatter_sc(msg_b, row, zeros_nh, NP, EH, H, EH)
    return _combine_tc(x, p_a, p_b, W_comb[:, :H].T, W_comb[:, H:].T,
                       b_comb.reshape(1, H), N, H)

# --- scband reference (transcript-rebuilt; emitter-appended) ---
"""Pipeline reference for scband-neighbor-embedding-59631325937736 (READ-ONLY COPY).

The authoritative reference and input builder live on the scoring server;
editing this copy changes nothing except your own understanding.
"""

import jax, jax.numpy as jnp
import numpy as np
import math

CUTOFF = 5.0

def setup_inputs(seed: int = 0) -> dict:
    key = jax.random.key(seed)
    ks = jax.random.split(key, 9)
    N, E, H, R, MAXZ = 10000, 320000, 128, 64, 100
    z = jax.random.randint(ks[0], (N,), 0, MAXZ)
    x = jax.random.normal(ks[1], (N, H), dtype=jnp.float32)
    edge_index = jax.random.randint(ks[2], (2, E), 0, N)
    edge_weight = jax.random.uniform(ks[3], (E,), dtype=jnp.float32)
    edge_attr = jax.random.normal(ks[4], (E, R), dtype=jnp.float32)
    emb = jax.random.normal(ks[5], (MAXZ, H), dtype=jnp.float32)
    W_dist = jax.random.normal(ks[6], (H, R), dtype=jnp.float32) / math.sqrt(R)
    b_dist = jnp.zeros((H,), dtype=jnp.float32)
    W_comb = jax.random.normal(ks[7], (H, 2 * H), dtype=jnp.float32) / math.sqrt(2 * H)
    b_comb = jnp.zeros((H,), dtype=jnp.float32)
    return {"z": z, "x": x, "edge_index": edge_index, "edge_weight": edge_weight,
            "edge_attr": edge_attr, "emb": emb, "W_dist": W_dist, "b_dist": b_dist,
            "W_comb": W_comb, "b_comb": b_comb}

def reference(z, x, edge_index, edge_weight, edge_attr, emb, W_dist, b_dist, W_comb, b_comb):
    row, col = edge_index[0], edge_index[1]
    # CosineCutoff
    C = 0.5 * (jnp.cos(edge_weight * math.pi / CUTOFF) + 1.0)
    C = C * (edge_weight < CUTOFF).astype(jnp.float32)
    # distance_proj (nn.Linear): edge_attr @ W^T + b, modulated by cutoff
    W = (edge_attr @ W_dist.T + b_dist) * C[:, None]
    # embedding lookup of atomic numbers
    x_neighbors = emb[z]
    # gather neighbor features along col, weight, scatter-add into row
    out_neighbors = x_neighbors[col] * W
    aggr_out = jnp.zeros_like(x).at[row].add(out_neighbors)
    # combine (nn.Linear on concat)
    out = jnp.concatenate([x, aggr_out], axis=1) @ W_comb.T + b_comb
    return out

if __name__ == "__main__":
    import jax
    _d = setup_inputs()
    print(jax.jit(kernel)(*tuple(_d.values())))

</pallas_src>

<mosaic_0001>
#map = affine_map<(d0, d1) -> (0, 0)>
#map1 = affine_map<(d0, d1) -> (0)>
#map2 = affine_map<(d0, d1) -> (0, 0, 0)>
module attributes {stable_mosaic.version = 14 : i64} {
  func.func @k(%arg0: i32, %arg1: i32, %arg2: memref<160000x128xf32, #tpu.memory_space<hbm>>, %arg3: memref<320000xi32, #tpu.memory_space<hbm>>, %arg4: memref<10112x128xf32, #tpu.memory_space<hbm>>, %arg5: memref<2x10112x128xf32, #tpu.memory_space<hbm>>, %arg6: memref<10112x128xf32, #tpu.memory_space<vmem_shared>>, %arg7: memref<2x128x128xf32, #tpu.memory_space<vmem>>, %arg8: memref<2x128xi32, #tpu.memory_space<vmem>>, %arg9: memref<!tpu.dma_semaphore, #tpu.memory_space<semaphore_mem>>, %arg10: memref<!tpu.dma_semaphore, #tpu.memory_space<semaphore_mem>>) attributes {dimension_semantics = [#tpu.dimension_semantics<core_parallel>, #tpu.dimension_semantics<subcore_parallel>], iteration_bounds = array<i64: 2, 16>, scalar_prefetch = 0 : i64, scratch_operands = 5 : i64, tpu.core_type = #tpu.core_type<sc_vector_subcore>, window_params = [{transform_indices = #map}, {transform_indices = #map1}, {transform_indices = #map}, {transform_indices = #map2}]} {
    %mul3A = arith.constant 16 : i32
    %mul3A_0 = arith.muli %arg0, %mul3A : i32
    %add3A = arith.addi %mul3A_0, %arg1 : i32
    %mul3A_1 = arith.constant 632 : i32
    %mul3A_2 = arith.muli %arg1, %mul3A_1 : i32
    %mul3A_3 = arith.constant 632 : i32
    %mul3A_4 = arith.muli %arg1, %mul3A_3 : i32
    "tpu.region"() ({
      %run_scoped3A = tpu.sem_alloc : memref<!tpu.dma_semaphore, #tpu.memory_space<semaphore_mem>>
      %dma_start3A_42 = arith.constant 0 : i32
      %dma_start3A_43 = tpu.memref_slice %arg6[%mul3A_4, %dma_start3A_42] : memref<10112x128xf32, #tpu.memory_space<vmem_shared>> -> memref<632x128xf32, #tpu.memory_space<vmem_shared>>
      %dma_start3A_44 = arith.constant 0 : i32
      %dma_start3A_45 = tpu.memref_slice %arg4[%mul3A_2, %dma_start3A_44] : memref<10112x128xf32, #tpu.memory_space<hbm>> -> memref<632x128xf32, #tpu.memory_space<hbm>>
      tpu.enqueue_dma source(%dma_start3A_45 : memref<632x128xf32, #tpu.memory_space<hbm>>) target(%dma_start3A_43 : memref<632x128xf32, #tpu.memory_space<vmem_shared>>) target_semaphore(%run_scoped3A : memref<!tpu.dma_semaphore, #tpu.memory_space<semaphore_mem>>)
      %dma_wait3A = arith.constant 0 : i32
      %dma_wait3A_46 = tpu.memref_slice %arg6[%mul3A_4, %dma_wait3A] : memref<10112x128xf32, #tpu.memory_space<vmem_shared>> -> memref<632x128xf32, #tpu.memory_space<vmem_shared>>
      %dma_wait3A_47 = arith.constant 0 : i32
      %dma_wait3A_48 = tpu.memref_slice %arg4[%mul3A_2, %dma_wait3A_47] : memref<10112x128xf32, #tpu.memory_space<hbm>> -> memref<632x128xf32, #tpu.memory_space<hbm>>
      tpu.wait_dma2 semaphore(%run_scoped3A : memref<!tpu.dma_semaphore, #tpu.memory_space<semaphore_mem>>) src(%dma_wait3A_48 : memref<632x128xf32, #tpu.memory_space<hbm>>) dst(%dma_wait3A_46 : memref<632x128xf32, #tpu.memory_space<vmem_shared>>)
      tpu.yield
    }) : () -> ()
    %barrier3A = arith.constant 0 : index
    tpu.barrier barrier_id(%barrier3A)
    %add3A_5 = arith.constant 0 : i32
    %add3A_6 = arith.addi %add3A, %add3A_5 : i32
    %mul3A_7 = arith.constant 128 : i32
    %mul3A_8 = arith.muli %add3A_6, %mul3A_7 : i32
    %add3A_9 = arith.constant 160000 : i32
    %add3A_10 = arith.addi %add3A_9, %mul3A_8 : i32
    %dma_start3A = arith.constant 0 : i32
    %dma_start3A_11 = arith.constant 0 : i32
    %dma_start3A_12 = tpu.memref_slice %arg8[%dma_start3A, %dma_start3A_11] : memref<2x128xi32, #tpu.memory_space<vmem>> -> memref<1x128xi32, #tpu.memory_space<vmem>>
    %dma_start3A_13 = tpu.memref_squeeze %dma_start3A_12 : memref<1x128xi32, #tpu.memory_space<vmem>> -> memref<128xi32, #tpu.memory_space<vmem>>
    %dma_start3A_14 = tpu.memref_slice %arg3[%add3A_10] : memref<320000xi32, #tpu.memory_space<hbm>> -> memref<128xi32, #tpu.memory_space<hbm>>
    %dma_start3A_15 = arith.constant 0 : i32
    %dma_start3A_16 = tpu.memref_slice %arg8[%dma_start3A, %dma_start3A_15] : memref<2x128xi32, #tpu.memory_space<vmem>> -> memref<1x128xi32, #tpu.memory_space<vmem>>
    %dma_start3A_17 = tpu.memref_squeeze %dma_start3A_16 : memref<1x128xi32, #tpu.memory_space<vmem>> -> memref<128xi32, #tpu.memory_space<vmem>>
    %dma_start3A_18 = tpu.memref_slice %arg3[%add3A_10] : memref<320000xi32, #tpu.memory_space<hbm>> -> memref<128xi32, #tpu.memory_space<hbm>>
    tpu.enqueue_dma source(%dma_start3A_18 : memref<128xi32, #tpu.memory_space<hbm>>) target(%dma_start3A_17 : memref<128xi32, #tpu.memory_space<vmem>>) target_semaphore(%arg9 : memref<!tpu.dma_semaphore, #tpu.memory_space<semaphore_mem>>)
    %dma_start3A_19 = arith.constant 0 : i32
    %dma_start3A_20 = arith.constant 0 : i32
    %dma_start3A_21 = arith.constant 0 : i32
    %dma_start3A_22 = tpu.memref_slice %arg7[%dma_start3A_19, %dma_start3A_20, %dma_start3A_21] : memref<2x128x128xf32, #tpu.memory_space<vmem>> -> memref<1x128x128xf32, #tpu.memory_space<vmem>>
    %dma_start3A_23 = tpu.memref_squeeze %dma_start3A_22 : memref<1x128x128xf32, #tpu.memory_space<vmem>> -> memref<128x128xf32, #tpu.memory_space<vmem>>
    %dma_start3A_24 = arith.constant 0 : i32
    %dma_start3A_25 = tpu.memref_slice %arg2[%mul3A_8, %dma_start3A_24] : memref<160000x128xf32, #tpu.memory_space<hbm>> -> memref<128x128xf32, #tpu.memory_space<hbm>>
    %dma_start3A_26 = arith.constant 0 : i32
    %dma_start3A_27 = arith.constant 0 : i32
    %dma_start3A_28 = tpu.memref_slice %arg7[%dma_start3A_19, %dma_start3A_26, %dma_start3A_27] : memref<2x128x128xf32, #tpu.memory_space<vmem>> -> memref<1x128x128xf32, #tpu.memory_space<vmem>>
    %dma_start3A_29 = tpu.memref_squeeze %dma_start3A_28 : memref<1x128x128xf32, #tpu.memory_space<vmem>> -> memref<128x128xf32, #tpu.memory_space<vmem>>
    %dma_start3A_30 = arith.constant 0 : i32
    %dma_start3A_31 = tpu.memref_slice %arg2[%mul3A_8, %dma_start3A_30] : memref<160000x128xf32, #tpu.memory_space<hbm>> -> memref<128x128xf32, #tpu.memory_space<hbm>>
    tpu.enqueue_dma source(%dma_start3A_31 : memref<128x128xf32, #tpu.memory_space<hbm>>) target(%dma_start3A_29 : memref<128x128xf32, #tpu.memory_space<vmem>>) target_semaphore(%arg9 : memref<!tpu.dma_semaphore, #tpu.memory_space<semaphore_mem>>)
    %scan3A = arith.constant 0 : i32
    %scan3A_32 = arith.constant 0 : i32
    %scan3A_33 = arith.constant 20 : i32
    %scan3A_34 = arith.addi %scan3A_32, %scan3A_33 : i32
    %scan3A_35 = arith.constant 1 : i32
    scf.for %scan3A_42 = %scan3A_32 to %scan3A_34 step %scan3A_35  : i32 {
      %mul3A_43 = arith.constant 2 : i32
      %mul3A_44 = arith.muli %scan3A_42, %mul3A_43 : i32
      %add3A_45 = arith.constant 0 : i32
      %add3A_46 = arith.addi %mul3A_44, %add3A_45 : i32
      %mul3A_47 = arith.constant 32 : i32
      %mul3A_48 = arith.muli %add3A_46, %mul3A_47 : i32
      %add3A_49 = arith.addi %add3A, %mul3A_48 : i32
      %add3A_50 = arith.constant 1 : i32
      %add3A_51 = arith.addi %add3A_46, %add3A_50 : i32
      %mul3A_52 = arith.constant 32 : i32
      %mul3A_53 = arith.muli %add3A_51, %mul3A_52 : i32
      %add3A_54 = arith.addi %add3A, %mul3A_53 : i32
      %lt3A = arith.constant 1250 : i32
      %lt3A_55 = arith.cmpi slt, %add3A_54, %lt3A : i32
      %convert_element_type3A = arith.extui %lt3A_55 : i1 to i32
      %cond3A = arith.constant 0 : i32
      %cond3A_56 = arith.cmpi ne, %convert_element_type3A, %cond3A : i32
      scf.if %cond3A_56 {
        %add3A_84 = arith.constant 1 : i32
        %add3A_85 = arith.addi %add3A_46, %add3A_84 : i32
        %mul3A_86 = arith.constant 32 : i32
        %mul3A_87 = arith.muli %add3A_85, %mul3A_86 : i32
        %add3A_88 = arith.addi %add3A, %mul3A_87 : i32
        %mul3A_89 = arith.constant 128 : i32
        %mul3A_90 = arith.muli %add3A_88, %mul3A_89 : i32
        %add3A_91 = arith.constant 160000 : i32
        %add3A_92 = arith.addi %add3A_91, %mul3A_90 : i32
        %dma_start3A_93 = arith.constant 1 : i32
        %dma_start3A_94 = arith.constant 0 : i32
        %dma_start3A_95 = tpu.memref_slice %arg8[%dma_start3A_93, %dma_start3A_94] : memref<2x128xi32, #tpu.memory_space<vmem>> -> memref<1x128xi32, #tpu.memory_space<vmem>>
        %dma_start3A_96 = tpu.memref_squeeze %dma_start3A_95 : memref<1x128xi32, #tpu.memory_space<vmem>> -> memref<128xi32, #tpu.memory_space<vmem>>
        %dma_start3A_97 = tpu.memref_slice %arg3[%add3A_92] : memref<320000xi32, #tpu.memory_space<hbm>> -> memref<128xi32, #tpu.memory_space<hbm>>
        %dma_start3A_98 = arith.constant 0 : i32
        %dma_start3A_99 = tpu.memref_slice %arg8[%dma_start3A_93, %dma_start3A_98] : memref<2x128xi32, #tpu.memory_space<vmem>> -> memref<1x128xi32, #tpu.memory_space<vmem>>
        %dma_start3A_100 = tpu.memref_squeeze %dma_start3A_99 : memref<1x128xi32, #tpu.memory_space<vmem>> -> memref<128xi32, #tpu.memory_space<vmem>>
        %dma_start3A_101 = tpu.memref_slice %arg3[%add3A_92] : memref<320000xi32, #tpu.memory_space<hbm>> -> memref<128xi32, #tpu.memory_space<hbm>>
        tpu.enqueue_dma source(%dma_start3A_101 : memref<128xi32, #tpu.memory_space<hbm>>) target(%dma_start3A_100 : memref<128xi32, #tpu.memory_space<vmem>>) target_semaphore(%arg10 : memref<!tpu.dma_semaphore, #tpu.memory_space<semaphore_mem>>)
        %dma_start3A_102 = arith.constant 1 : i32
        %dma_start3A_103 = arith.constant 0 : i32
        %dma_start3A_104 = arith.constant 0 : i32
        %dma_start3A_105 = tpu.memref_slice %arg7[%dma_start3A_102, %dma_start3A_103, %dma_start3A_104] : memref<2x128x128xf32, #tpu.memory_space<vmem>> -> memref<1x128x128xf32, #tpu.memory_space<vmem>>
        %dma_start3A_106 = tpu.memref_squeeze %dma_start3A_105 : memref<1x128x128xf32, #tpu.memory_space<vmem>> -> memref<128x128xf32, #tpu.memory_space<vmem>>
        %dma_start3A_107 = arith.constant 0 : i32
        %dma_start3A_108 = tpu.memref_slice %arg2[%mul3A_90, %dma_start3A_107] : memref<160000x128xf32, #tpu.memory_space<hbm>> -> memref<128x128xf32, #tpu.memory_space<hbm>>
        %dma_start3A_109 = arith.constant 0 : i32
        %dma_start3A_110 = arith.constant 0 : i32
        %dma_start3A_111 = tpu.memref_slice %arg7[%dma_start3A_102, %dma_start3A_109, %dma_start3A_110] : memref<2x128x128xf32, #tpu.memory_space<vmem>> -> memref<1x128x128xf32, #tpu.memory_space<vmem>>
        %dma_start3A_112 = tpu.memref_squeeze %dma_start3A_111 : memref<1x128x128xf32, #tpu.memory_space<vmem>> -> memref<128x128xf32, #tpu.memory_space<vmem>>
        %dma_start3A_113 = arith.constant 0 : i32
        %dma_start3A_114 = tpu.memref_slice %arg2[%mul3A_90, %dma_start3A_113] : memref<160000x128xf32, #tpu.memory_space<hbm>> -> memref<128x128xf32, #tpu.memory_space<hbm>>
        tpu.enqueue_dma source(%dma_start3A_114 : memref<128x128xf32, #tpu.memory_space<hbm>>) target(%dma_start3A_112 : memref<128x128xf32, #tpu.memory_space<vmem>>) target_semaphore(%arg10 : memref<!tpu.dma_semaphore, #tpu.memory_space<semaphore_mem>>)
      } else {
      }
      %lt3A_57 = arith.constant 1250 : i32
      %lt3A_58 = arith.cmpi slt, %add3A_49, %lt3A_57 : i32
      %convert_element_type3A_59 = arith.extui %lt3A_58 : i1 to i32
      %cond3A_60 = arith.constant 0 : i32
      %cond3A_61 = arith.cmpi ne, %convert_element_type3A_59, %cond3A_60 : i32
      scf.if %cond3A_61 {
        %dma_wait3A = arith.constant 0 : i32
        %dma_wait3A_84 = arith.constant 0 : i32
        %dma_wait3A_85 = tpu.memref_slice %arg8[%dma_wait3A, %dma_wait3A_84] : memref<2x128xi32, #tpu.memory_space<vmem>> -> memref<1x128xi32, #tpu.memory_space<vmem>>
        %dma_wait3A_86 = tpu.memref_squeeze %dma_wait3A_85 : memref<1x128xi32, #tpu.memory_space<vmem>> -> memref<128xi32, #tpu.memory_space<vmem>>
        %dma_wait3A_87 = arith.constant 0 : i32
        %dma_wait3A_88 = tpu.memref_slice %arg3[%dma_wait3A_87] : memref<320000xi32, #tpu.memory_space<hbm>> -> memref<128xi32, #tpu.memory_space<hbm>>
        %dma_wait3A_89 = arith.constant 0 : i32
        %dma_wait3A_90 = tpu.memref_slice %arg8[%dma_wait3A, %dma_wait3A_89] : memref<2x128xi32, #tpu.memory_space<vmem>> -> memref<1x128xi32, #tpu.memory_space<vmem>>
        %dma_wait3A_91 = tpu.memref_squeeze %dma_wait3A_90 : memref<1x128xi32, #tpu.memory_space<vmem>> -> memref<128xi32, #tpu.memory_space<vmem>>
        %dma_wait3A_92 = arith.constant 0 : i32
        %dma_wait3A_93 = tpu.memref_slice %arg3[%dma_wait3A_92] : memref<320000xi32, #tpu.memory_space<hbm>> -> memref<128xi32, #tpu.memory_space<hbm>>
        tpu.wait_dma2 semaphore(%arg9 : memref<!tpu.dma_semaphore, #tpu.memory_space<semaphore_mem>>) src(%dma_wait3A_93 : memref<128xi32, #tpu.memory_space<hbm>>) dst(%dma_wait3A_91 : memref<128xi32, #tpu.memory_space<vmem>>)
        %dma_wait3A_94 = arith.constant 0 : i32
        %dma_wait3A_95 = arith.constant 0 : i32
        %dma_wait3A_96 = arith.constant 0 : i32
        %dma_wait3A_97 = tpu.memref_slice %arg7[%dma_wait3A_94, %dma_wait3A_95, %dma_wait3A_96] : memref<2x128x128xf32, #tpu.memory_space<vmem>> -> memref<1x128x128xf32, #tpu.memory_space<vmem>>
        %dma_wait3A_98 = tpu.memref_squeeze %dma_wait3A_97 : memref<1x128x128xf32, #tpu.memory_space<vmem>> -> memref<128x128xf32, #tpu.memory_space<vmem>>
        %dma_wait3A_99 = arith.constant 0 : i32
        %dma_wait3A_100 = arith.constant 0 : i32
        %dma_wait3A_101 = tpu.memref_slice %arg2[%dma_wait3A_99, %dma_wait3A_100] : memref<160000x128xf32, #tpu.memory_space<hbm>> -> memref<128x128xf32, #tpu.memory_space<hbm>>
        %dma_wait3A_102 = arith.constant 0 : i32
        %dma_wait3A_103 = arith.constant 0 : i32
        %dma_wait3A_104 = tpu.memref_slice %arg7[%dma_wait3A_94, %dma_wait3A_102, %dma_wait3A_103] : memref<2x128x128xf32, #tpu.memory_space<vmem>> -> memref<1x128x128xf32, #tpu.memory_space<vmem>>
        %dma_wait3A_105 = tpu.memref_squeeze %dma_wait3A_104 : memref<1x128x128xf32, #tpu.memory_space<vmem>> -> memref<128x128xf32, #tpu.memory_space<vmem>>
        %dma_wait3A_106 = arith.constant 0 : i32
        %dma_wait3A_107 = arith.constant 0 : i32
        %dma_wait3A_108 = tpu.memref_slice %arg2[%dma_wait3A_106, %dma_wait3A_107] : memref<160000x128xf32, #tpu.memory_space<hbm>> -> memref<128x128xf32, #tpu.memory_space<hbm>>
        tpu.wait_dma2 semaphore(%arg9 : memref<!tpu.dma_semaphore, #tpu.memory_space<semaphore_mem>>) src(%dma_wait3A_108 : memref<128x128xf32, #tpu.memory_space<hbm>>) dst(%dma_wait3A_105 : memref<128x128xf32, #tpu.memory_space<vmem>>)
        %run_scoped3A = arith.constant 0 : i32
        %run_scoped3A_109 = arith.constant 0 : i32
        "tpu.region"() ({
          %run_scoped3A_110 = tpu.sem_alloc : memref<!tpu.dma_semaphore, #tpu.memory_space<semaphore_mem>>
          %dma_start3A_111 = arith.constant 0 : i32
          %dma_start3A_112 = arith.constant 0 : i32
          %dma_start3A_113 = tpu.memref_slice %arg7[%run_scoped3A, %dma_start3A_111, %dma_start3A_112] : memref<2x128x128xf32, #tpu.memory_space<vmem>> -> memref<1x128x128xf32, #tpu.memory_space<vmem>>
          %dma_start3A_114 = tpu.memref_squeeze %dma_start3A_113 : memref<1x128x128xf32, #tpu.memory_space<vmem>> -> memref<128x128xf32, #tpu.memory_space<vmem>>
          %dma_start3A_115 = arith.constant 0 : i32
          %dma_start3A_116 = tpu.memref_slice %arg8[%run_scoped3A_109, %dma_start3A_115] : memref<2x128xi32, #tpu.memory_space<vmem>> -> memref<1x128xi32, #tpu.memory_space<vmem>>
          %dma_start3A_117 = tpu.memref_squeeze %dma_start3A_116 : memref<1x128xi32, #tpu.memory_space<vmem>> -> memref<128xi32, #tpu.memory_space<vmem>>
          %dma_start3A_118 = arith.constant 0 : i32
          %dma_start3A_119 = arith.constant 0 : i32
          %dma_start3A_120 = tpu.memref_slice %arg6[%dma_start3A_118, %dma_start3A_119] : memref<10112x128xf32, #tpu.memory_space<vmem_shared>> -> memref<10112x128xf32, #tpu.memory_space<vmem_shared>>
          tpu.enqueue_indirect_dma source(%dma_start3A_114 : memref<128x128xf32, #tpu.memory_space<vmem>>) target(%dma_start3A_120 : memref<10112x128xf32, #tpu.memory_space<vmem_shared>>) offsets(%dma_start3A_117 : memref<128xi32, #tpu.memory_space<vmem>>) semaphore(%run_scoped3A_110 : memref<!tpu.dma_semaphore, #tpu.memory_space<semaphore_mem>>) {add = true}
          %dma_wait3A_121 = arith.constant 0 : i32
          %dma_wait3A_122 = arith.constant 0 : i32
          %dma_wait3A_123 = tpu.memref_slice %arg7[%run_scoped3A, %dma_wait3A_121, %dma_wait3A_122] : memref<2x128x128xf32, #tpu.memory_space<vmem>> -> memref<1x128x128xf32, #tpu.memory_space<vmem>>
          %dma_wait3A_124 = tpu.memref_squeeze %dma_wait3A_123 : memref<1x128x128xf32, #tpu.memory_space<vmem>> -> memref<128x128xf32, #tpu.memory_space<vmem>>
          %dma_wait3A_125 = arith.constant 0 : i32
          %dma_wait3A_126 = tpu.memref_slice %arg8[%run_scoped3A_109, %dma_wait3A_125] : memref<2x128xi32, #tpu.memory_space<vmem>> -> memref<1x128xi32, #tpu.memory_space<vmem>>
          %dma_wait3A_127 = tpu.memref_squeeze %dma_wait3A_126 : memref<1x128xi32, #tpu.memory_space<vmem>> -> memref<128xi32, #tpu.memory_space<vmem>>
          %dma_wait3A_128 = arith.constant 0 : i32
          %dma_wait3A_129 = arith.constant 0 : i32
          %dma_wait3A_130 = tpu.memref_slice %arg6[%dma_wait3A_128, %dma_wait3A_129] : memref<10112x128xf32, #tpu.memory_space<vmem_shared>> -> memref<10112x128xf32, #tpu.memory_space<vmem_shared>>
          tpu.wait_indirect_dma semaphore(%run_scoped3A_110 : memref<!tpu.dma_semaphore, #tpu.memory_space<semaphore_mem>>) src(%dma_wait3A_124 : memref<128x128xf32, #tpu.memory_space<vmem>>) dst(%dma_wait3A_130 : memref<10112x128xf32, #tpu.memory_space<vmem_shared>>)
          tpu.yield
        }) : () -> ()
      } else {
      }
      %mul3A_62 = arith.constant 2 : i32
      %mul3A_63 = arith.muli %scan3A_42, %mul3A_62 : i32
      %add3A_64 = arith.constant 1 : i32
      %add3A_65 = arith.addi %mul3A_63, %add3A_64 : i32
      %mul3A_66 = arith.constant 32 : i32
      %mul3A_67 = arith.muli %add3A_65, %mul3A_66 : i32
      %add3A_68 = arith.addi %add3A, %mul3A_67 : i32
      %add3A_69 = arith.constant 1 : i32
      %add3A_70 = arith.addi %add3A_65, %add3A_69 : i32
      %mul3A_71 = arith.constant 32 : i32
      %mul3A_72 = arith.muli %add3A_70, %mul3A_71 : i32
      %add3A_73 = arith.addi %add3A, %mul3A_72 : i32
      %lt3A_74 = arith.constant 1250 : i32
      %lt3A_75 = arith.cmpi slt, %add3A_73, %lt3A_74 : i32
      %convert_element_type3A_76 = arith.extui %lt3A_75 : i1 to i32
      %cond3A_77 = arith.constant 0 : i32
      %cond3A_78 = arith.cmpi ne, %convert_element_type3A_76, %cond3A_77 : i32
      scf.if %cond3A_78 {
        %add3A_84 = arith.constant 1 : i32
        %add3A_85 = arith.addi %add3A_65, %add3A_84 : i32
        %mul3A_86 = arith.constant 32 : i32
        %mul3A_87 = arith.muli %add3A_85, %mul3A_86 : i32
        %add3A_88 = arith.addi %add3A, %mul3A_87 : i32
        %mul3A_89 = arith.constant 128 : i32
        %mul3A_90 = arith.muli %add3A_88, %mul3A_89 : i32
        %add3A_91 = arith.constant 160000 : i32
        %add3A_92 = arith.addi %add3A_91, %mul3A_90 : i32
        %dma_start3A_93 = arith.constant 0 : i32
        %dma_start3A_94 = arith.constant 0 : i32
        %dma_start3A_95 = tpu.memref_slice %arg8[%dma_start3A_93, %dma_start3A_94] : memref<2x128xi32, #tpu.memory_space<vmem>> -> memref<1x128xi32, #tpu.memory_space<vmem>>
        %dma_start3A_96 = tpu.memref_squeeze %dma_start3A_95 : memref<1x128xi32, #tpu.memory_space<vmem>> -> memref<128xi32, #tpu.memory_space<vmem>>
        %dma_start3A_97 = tpu.memref_slice %arg3[%add3A_92] : memref<320000xi32, #tpu.memory_space<hbm>> -> memref<128xi32, #tpu.memory_space<hbm>>
        %dma_start3A_98 = arith.constant 0 : i32
        %dma_start3A_99 = tpu.memref_slice %arg8[%dma_start3A_93, %dma_start3A_98] : memref<2x128xi32, #tpu.memory_space<vmem>> -> memref<1x128xi32, #tpu.memory_space<vmem>>
        %dma_start3A_100 = tpu.memref_squeeze %dma_start3A_99 : memref<1x128xi32, #tpu.memory_space<vmem>> -> memref<128xi32, #tpu.memory_space<vmem>>
        %dma_start3A_101 = tpu.memref_slice %arg3[%add3A_92] : memref<320000xi32, #tpu.memory_space<hbm>> -> memref<128xi32, #tpu.memory_space<hbm>>
        tpu.enqueue_dma source(%dma_start3A_101 : memref<128xi32, #tpu.memory_space<hbm>>) target(%dma_start3A_100 : memref<128xi32, #tpu.memory_space<vmem>>) target_semaphore(%arg9 : memref<!tpu.dma_semaphore, #tpu.memory_space<semaphore_mem>>)
        %dma_start3A_102 = arith.constant 0 : i32
        %dma_start3A_103 = arith.constant 0 : i32
        %dma_start3A_104 = arith.constant 0 : i32
        %dma_start3A_105 = tpu.memref_slice %arg7[%dma_start3A_102, %dma_start3A_103, %dma_start3A_104] : memref<2x128x128xf32, #tpu.memory_space<vmem>> -> memref<1x128x128xf32, #tpu.memory_space<vmem>>
        %dma_start3A_106 = tpu.memref_squeeze %dma_start3A_105 : memref<1x128x128xf32, #tpu.memory_space<vmem>> -> memref<128x128xf32, #tpu.memory_space<vmem>>
        %dma_start3A_107 = arith.constant 0 : i32
        %dma_start3A_108 = tpu.memref_slice %arg2[%mul3A_90, %dma_start3A_107] : memref<160000x128xf32, #tpu.memory_space<hbm>> -> memref<128x128xf32, #tpu.memory_space<hbm>>
        %dma_start3A_109 = arith.constant 0 : i32
        %dma_start3A_110 = arith.constant 0 : i32
        %dma_start3A_111 = tpu.memref_slice %arg7[%dma_start3A_102, %dma_start3A_109, %dma_start3A_110] : memref<2x128x128xf32, #tpu.memory_space<vmem>> -> memref<1x128x128xf32, #tpu.memory_space<vmem>>
        %dma_start3A_112 = tpu.memref_squeeze %dma_start3A_111 : memref<1x128x128xf32, #tpu.memory_space<vmem>> -> memref<128x128xf32, #tpu.memory_space<vmem>>
        %dma_start3A_113 = arith.constant 0 : i32
        %dma_start3A_114 = tpu.memref_slice %arg2[%mul3A_90, %dma_start3A_113] : memref<160000x128xf32, #tpu.memory_space<hbm>> -> memref<128x128xf32, #tpu.memory_space<hbm>>
        tpu.enqueue_dma source(%dma_start3A_114 : memref<128x128xf32, #tpu.memory_space<hbm>>) target(%dma_start3A_112 : memref<128x128xf32, #tpu.memory_space<vmem>>) target_semaphore(%arg9 : memref<!tpu.dma_semaphore, #tpu.memory_space<semaphore_mem>>)
      } else {
      }
      %lt3A_79 = arith.constant 1250 : i32
      %lt3A_80 = arith.cmpi slt, %add3A_68, %lt3A_79 : i32
      %convert_element_type3A_81 = arith.extui %lt3A_80 : i1 to i32
      %cond3A_82 = arith.constant 0 : i32
      %cond3A_83 = arith.cmpi ne, %convert_element_type3A_81, %cond3A_82 : i32
      scf.if %cond3A_83 {
        %dma_wait3A = arith.constant 1 : i32
        %dma_wait3A_84 = arith.constant 0 : i32
        %dma_wait3A_85 = tpu.memref_slice %arg8[%dma_wait3A, %dma_wait3A_84] : memref<2x128xi32, #tpu.memory_space<vmem>> -> memref<1x128xi32, #tpu.memory_space<vmem>>
        %dma_wait3A_86 = tpu.memref_squeeze %dma_wait3A_85 : memref<1x128xi32, #tpu.memory_space<vmem>> -> memref<128xi32, #tpu.memory_space<vmem>>
        %dma_wait3A_87 = arith.constant 0 : i32
        %dma_wait3A_88 = tpu.memref_slice %arg3[%dma_wait3A_87] : memref<320000xi32, #tpu.memory_space<hbm>> -> memref<128xi32, #tpu.memory_space<hbm>>
        %dma_wait3A_89 = arith.constant 0 : i32
        %dma_wait3A_90 = tpu.memref_slice %arg8[%dma_wait3A, %dma_wait3A_89] : memref<2x128xi32, #tpu.memory_space<vmem>> -> memref<1x128xi32, #tpu.memory_space<vmem>>
        %dma_wait3A_91 = tpu.memref_squeeze %dma_wait3A_90 : memref<1x128xi32, #tpu.memory_space<vmem>> -> memref<128xi32, #tpu.memory_space<vmem>>
        %dma_wait3A_92 = arith.constant 0 : i32
        %dma_wait3A_93 = tpu.memref_slice %arg3[%dma_wait3A_92] : memref<320000xi32, #tpu.memory_space<hbm>> -> memref<128xi32, #tpu.memory_space<hbm>>
        tpu.wait_dma2 semaphore(%arg10 : memref<!tpu.dma_semaphore, #tpu.memory_space<semaphore_mem>>) src(%dma_wait3A_93 : memref<128xi32, #tpu.memory_space<hbm>>) dst(%dma_wait3A_91 : memref<128xi32, #tpu.memory_space<vmem>>)
        %dma_wait3A_94 = arith.constant 1 : i32
        %dma_wait3A_95 = arith.constant 0 : i32
        %dma_wait3A_96 = arith.constant 0 : i32
        %dma_wait3A_97 = tpu.memref_slice %arg7[%dma_wait3A_94, %dma_wait3A_95, %dma_wait3A_96] : memref<2x128x128xf32, #tpu.memory_space<vmem>> -> memref<1x128x128xf32, #tpu.memory_space<vmem>>
        %dma_wait3A_98 = tpu.memref_squeeze %dma_wait3A_97 : memref<1x128x128xf32, #tpu.memory_space<vmem>> -> memref<128x128xf32, #tpu.memory_space<vmem>>
        %dma_wait3A_99 = arith.constant 0 : i32
        %dma_wait3A_100 = arith.constant 0 : i32
        %dma_wait3A_101 = tpu.memref_slice %arg2[%dma_wait3A_99, %dma_wait3A_100] : memref<160000x128xf32, #tpu.memory_space<hbm>> -> memref<128x128xf32, #tpu.memory_space<hbm>>
        %dma_wait3A_102 = arith.constant 0 : i32
        %dma_wait3A_103 = arith.constant 0 : i32
        %dma_wait3A_104 = tpu.memref_slice %arg7[%dma_wait3A_94, %dma_wait3A_102, %dma_wait3A_103] : memref<2x128x128xf32, #tpu.memory_space<vmem>> -> memref<1x128x128xf32, #tpu.memory_space<vmem>>
        %dma_wait3A_105 = tpu.memref_squeeze %dma_wait3A_104 : memref<1x128x128xf32, #tpu.memory_space<vmem>> -> memref<128x128xf32, #tpu.memory_space<vmem>>
        %dma_wait3A_106 = arith.constant 0 : i32
        %dma_wait3A_107 = arith.constant 0 : i32
        %dma_wait3A_108 = tpu.memref_slice %arg2[%dma_wait3A_106, %dma_wait3A_107] : memref<160000x128xf32, #tpu.memory_space<hbm>> -> memref<128x128xf32, #tpu.memory_space<hbm>>
        tpu.wait_dma2 semaphore(%arg10 : memref<!tpu.dma_semaphore, #tpu.memory_space<semaphore_mem>>) src(%dma_wait3A_108 : memref<128x128xf32, #tpu.memory_space<hbm>>) dst(%dma_wait3A_105 : memref<128x128xf32, #tpu.memory_space<vmem>>)
        %run_scoped3A = arith.constant 1 : i32
        %run_scoped3A_109 = arith.constant 1 : i32
        "tpu.region"() ({
          %run_scoped3A_110 = tpu.sem_alloc : memref<!tpu.dma_semaphore, #tpu.memory_space<semaphore_mem>>
          %dma_start3A_111 = arith.constant 0 : i32
          %dma_start3A_112 = arith.constant 0 : i32
          %dma_start3A_113 = tpu.memref_slice %arg7[%run_scoped3A, %dma_start3A_111, %dma_start3A_112] : memref<2x128x128xf32, #tpu.memory_space<vmem>> -> memref<1x128x128xf32, #tpu.memory_space<vmem>>
          %dma_start3A_114 = tpu.memref_squeeze %dma_start3A_113 : memref<1x128x128xf32, #tpu.memory_space<vmem>> -> memref<128x128xf32, #tpu.memory_space<vmem>>
          %dma_start3A_115 = arith.constant 0 : i32
          %dma_start3A_116 = tpu.memref_slice %arg8[%run_scoped3A_109, %dma_start3A_115] : memref<2x128xi32, #tpu.memory_space<vmem>> -> memref<1x128xi32, #tpu.memory_space<vmem>>
          %dma_start3A_117 = tpu.memref_squeeze %dma_start3A_116 : memref<1x128xi32, #tpu.memory_space<vmem>> -> memref<128xi32, #tpu.memory_space<vmem>>
          %dma_start3A_118 = arith.constant 0 : i32
          %dma_start3A_119 = arith.constant 0 : i32
          %dma_start3A_120 = tpu.memref_slice %arg6[%dma_start3A_118, %dma_start3A_119] : memref<10112x128xf32, #tpu.memory_space<vmem_shared>> -> memref<10112x128xf32, #tpu.memory_space<vmem_shared>>
          tpu.enqueue_indirect_dma source(%dma_start3A_114 : memref<128x128xf32, #tpu.memory_space<vmem>>) target(%dma_start3A_120 : memref<10112x128xf32, #tpu.memory_space<vmem_shared>>) offsets(%dma_start3A_117 : memref<128xi32, #tpu.memory_space<vmem>>) semaphore(%run_scoped3A_110 : memref<!tpu.dma_semaphore, #tpu.memory_space<semaphore_mem>>) {add = true}
          %dma_wait3A_121 = arith.constant 0 : i32
          %dma_wait3A_122 = arith.constant 0 : i32
          %dma_wait3A_123 = tpu.memref_slice %arg7[%run_scoped3A, %dma_wait3A_121, %dma_wait3A_122] : memref<2x128x128xf32, #tpu.memory_space<vmem>> -> memref<1x128x128xf32, #tpu.memory_space<vmem>>
          %dma_wait3A_124 = tpu.memref_squeeze %dma_wait3A_123 : memref<1x128x128xf32, #tpu.memory_space<vmem>> -> memref<128x128xf32, #tpu.memory_space<vmem>>
          %dma_wait3A_125 = arith.constant 0 : i32
          %dma_wait3A_126 = tpu.memref_slice %arg8[%run_scoped3A_109, %dma_wait3A_125] : memref<2x128xi32, #tpu.memory_space<vmem>> -> memref<1x128xi32, #tpu.memory_space<vmem>>
          %dma_wait3A_127 = tpu.memref_squeeze %dma_wait3A_126 : memref<1x128xi32, #tpu.memory_space<vmem>> -> memref<128xi32, #tpu.memory_space<vmem>>
          %dma_wait3A_128 = arith.constant 0 : i32
          %dma_wait3A_129 = arith.constant 0 : i32
          %dma_wait3A_130 = tpu.memref_slice %arg6[%dma_wait3A_128, %dma_wait3A_129] : memref<10112x128xf32, #tpu.memory_space<vmem_shared>> -> memref<10112x128xf32, #tpu.memory_space<vmem_shared>>
          tpu.wait_indirect_dma semaphore(%run_scoped3A_110 : memref<!tpu.dma_semaphore, #tpu.memory_space<semaphore_mem>>) src(%dma_wait3A_124 : memref<128x128xf32, #tpu.memory_space<vmem>>) dst(%dma_wait3A_130 : memref<10112x128xf32, #tpu.memory_space<vmem_shared>>)
          tpu.yield
        }) : () -> ()
      } else {
      }
    }
    %scan3A_36 = arith.constant 20 : i32
    %barrier3A_37 = arith.constant 0 : index
    tpu.barrier barrier_id(%barrier3A_37)
    %mul3A_38 = arith.constant 632 : i32
    %mul3A_39 = arith.muli %arg1, %mul3A_38 : i32
    %mul3A_40 = arith.constant 632 : i32
    %mul3A_41 = arith.muli %arg1, %mul3A_40 : i32
    "tpu.region"() ({
      %run_scoped3A = tpu.sem_alloc : memref<!tpu.dma_semaphore, #tpu.memory_space<semaphore_mem>>
      %dma_start3A_42 = arith.constant 0 : i32
      %dma_start3A_43 = tpu.memref_slice %arg5[%arg0, %mul3A_41, %dma_start3A_42] : memref<2x10112x128xf32, #tpu.memory_space<hbm>> -> memref<1x632x128xf32, #tpu.memory_space<hbm>>
      %dma_start3A_44 = tpu.memref_squeeze %dma_start3A_43 : memref<1x632x128xf32, #tpu.memory_space<hbm>> -> memref<632x128xf32, #tpu.memory_space<hbm>>
      %dma_start3A_45 = arith.constant 0 : i32
      %dma_start3A_46 = tpu.memref_slice %arg6[%mul3A_39, %dma_start3A_45] : memref<10112x128xf32, #tpu.memory_space<vmem_shared>> -> memref<632x128xf32, #tpu.memory_space<vmem_shared>>
      tpu.enqueue_dma source(%dma_start3A_46 : memref<632x128xf32, #tpu.memory_space<vmem_shared>>) target(%dma_start3A_44 : memref<632x128xf32, #tpu.memory_space<hbm>>) target_semaphore(%run_scoped3A : memref<!tpu.dma_semaphore, #tpu.memory_space<semaphore_mem>>)
      %dma_wait3A = arith.constant 0 : i32
      %dma_wait3A_47 = tpu.memref_slice %arg5[%arg0, %mul3A_41, %dma_wait3A] : memref<2x10112x128xf32, #tpu.memory_space<hbm>> -> memref<1x632x128xf32, #tpu.memory_space<hbm>>
      %dma_wait3A_48 = tpu.memref_squeeze %dma_wait3A_47 : memref<1x632x128xf32, #tpu.memory_space<hbm>> -> memref<632x128xf32, #tpu.memory_space<hbm>>
      %dma_wait3A_49 = arith.constant 0 : i32
      %dma_wait3A_50 = tpu.memref_slice %arg6[%mul3A_39, %dma_wait3A_49] : memref<10112x128xf32, #tpu.memory_space<vmem_shared>> -> memref<632x128xf32, #tpu.memory_space<vmem_shared>>
      tpu.wait_dma2 semaphore(%run_scoped3A : memref<!tpu.dma_semaphore, #tpu.memory_space<semaphore_mem>>) src(%dma_wait3A_50 : memref<632x128xf32, #tpu.memory_space<vmem_shared>>) dst(%dma_wait3A_48 : memref<632x128xf32, #tpu.memory_space<hbm>>)
      tpu.yield
    }) : () -> ()
    return
  }
}

#map = affine_map<(d0, d1) -> (0, 0)>
#map1 = affine_map<(d0, d1) -> (0)>
#map2 = affine_map<(d0, d1) -> (0, 0, 0)>
module attributes {stable_mosaic.version = 14 : i64} {
  func.func @k(%arg0: i32, %arg1: i32, %arg2: memref<160000x128xf32, #tpu.memory_space<hbm>>, %arg3: memref<320000xi32, #tpu.memory_space<hbm>>, %arg4: memref<10112x128xf32, #tpu.memory_space<hbm>>, %arg5: memref<2x10112x128xf32, #tpu.memory_space<hbm>>, %arg6: memref<10112x128xf32, #tpu.memory_space<vmem_shared>>, %arg7: memref<2x128x128xf32, #tpu.memory_space<vmem>>, %arg8: memref<2x128xi32, #tpu.memory_space<vmem>>, %arg9: memref<!tpu.dma_semaphore, #tpu.memory_space<semaphore_mem>>, %arg10: memref<!tpu.dma_semaphore, #tpu.memory_space<semaphore_mem>>) attributes {dimension_semantics = [#tpu.dimension_semantics<core_parallel>, #tpu.dimension_semantics<subcore_parallel>], iteration_bounds = array<i64: 2, 16>, scalar_prefetch = 0 : i64, scratch_operands = 5 : i64, tpu.core_type = #tpu.core_type<sc_vector_subcore>, window_params = [{transform_indices = #map}, {transform_indices = #map1}, {transform_indices = #map}, {transform_indices = #map2}]} {
    %mul3A = arith.constant 16 : i32
    %mul3A_0 = arith.muli %arg0, %mul3A : i32
    %add3A = arith.addi %mul3A_0, %arg1 : i32
    %mul3A_1 = arith.constant 632 : i32
    %mul3A_2 = arith.muli %arg1, %mul3A_1 : i32
    %mul3A_3 = arith.constant 632 : i32
    %mul3A_4 = arith.muli %arg1, %mul3A_3 : i32
    "tpu.region"() ({
      %run_scoped3A = tpu.sem_alloc : memref<!tpu.dma_semaphore, #tpu.memory_space<semaphore_mem>>
      %dma_start3A_42 = arith.constant 0 : i32
      %dma_start3A_43 = tpu.memref_slice %arg6[%mul3A_4, %dma_start3A_42] : memref<10112x128xf32, #tpu.memory_space<vmem_shared>> -> memref<632x128xf32, #tpu.memory_space<vmem_shared>>
      %dma_start3A_44 = arith.constant 0 : i32
      %dma_start3A_45 = tpu.memref_slice %arg4[%mul3A_2, %dma_start3A_44] : memref<10112x128xf32, #tpu.memory_space<hbm>> -> memref<632x128xf32, #tpu.memory_space<hbm>>
      tpu.enqueue_dma source(%dma_start3A_45 : memref<632x128xf32, #tpu.memory_space<hbm>>) target(%dma_start3A_43 : memref<632x128xf32, #tpu.memory_space<vmem_shared>>) target_semaphore(%run_scoped3A : memref<!tpu.dma_semaphore, #tpu.memory_space<semaphore_mem>>)
      %dma_wait3A = arith.constant 0 : i32
      %dma_wait3A_46 = tpu.memref_slice %arg6[%mul3A_4, %dma_wait3A] : memref<10112x128xf32, #tpu.memory_space<vmem_shared>> -> memref<632x128xf32, #tpu.memory_space<vmem_shared>>
      %dma_wait3A_47 = arith.constant 0 : i32
      %dma_wait3A_48 = tpu.memref_slice %arg4[%mul3A_2, %dma_wait3A_47] : memref<10112x128xf32, #tpu.memory_space<hbm>> -> memref<632x128xf32, #tpu.memory_space<hbm>>
      tpu.wait_dma2 semaphore(%run_scoped3A : memref<!tpu.dma_semaphore, #tpu.memory_space<semaphore_mem>>) src(%dma_wait3A_48 : memref<632x128xf32, #tpu.memory_space<hbm>>) dst(%dma_wait3A_46 : memref<632x128xf32, #tpu.memory_space<vmem_shared>>)
      tpu.yield
    }) : () -> ()
    %barrier3A = arith.constant 0 : index
    tpu.barrier barrier_id(%barrier3A)
    %add3A_5 = arith.constant 0 : i32
    %add3A_6 = arith.addi %add3A, %add3A_5 : i32
    %mul3A_7 = arith.constant 128 : i32
    %mul3A_8 = arith.muli %add3A_6, %mul3A_7 : i32
    %add3A_9 = arith.constant 0 : i32
    %add3A_10 = arith.addi %add3A_9, %mul3A_8 : i32
    %dma_start3A = arith.constant 0 : i32
    %dma_start3A_11 = arith.constant 0 : i32
    %dma_start3A_12 = tpu.memref_slice %arg8[%dma_start3A, %dma_start3A_11] : memref<2x128xi32, #tpu.memory_space<vmem>> -> memref<1x128xi32, #tpu.memory_space<vmem>>
    %dma_start3A_13 = tpu.memref_squeeze %dma_start3A_12 : memref<1x128xi32, #tpu.memory_space<vmem>> -> memref<128xi32, #tpu.memory_space<vmem>>
    %dma_start3A_14 = tpu.memref_slice %arg3[%add3A_10] : memref<320000xi32, #tpu.memory_space<hbm>> -> memref<128xi32, #tpu.memory_space<hbm>>
    %dma_start3A_15 = arith.constant 0 : i32
    %dma_start3A_16 = tpu.memref_slice %arg8[%dma_start3A, %dma_start3A_15] : memref<2x128xi32, #tpu.memory_space<vmem>> -> memref<1x128xi32, #tpu.memory_space<vmem>>
    %dma_start3A_17 = tpu.memref_squeeze %dma_start3A_16 : memref<1x128xi32, #tpu.memory_space<vmem>> -> memref<128xi32, #tpu.memory_space<vmem>>
    %dma_start3A_18 = tpu.memref_slice %arg3[%add3A_10] : memref<320000xi32, #tpu.memory_space<hbm>> -> memref<128xi32, #tpu.memory_space<hbm>>
    tpu.enqueue_dma source(%dma_start3A_18 : memref<128xi32, #tpu.memory_space<hbm>>) target(%dma_start3A_17 : memref<128xi32, #tpu.memory_space<vmem>>) target_semaphore(%arg9 : memref<!tpu.dma_semaphore, #tpu.memory_space<semaphore_mem>>)
    %dma_start3A_19 = arith.constant 0 : i32
    %dma_start3A_20 = arith.constant 0 : i32
    %dma_start3A_21 = arith.constant 0 : i32
    %dma_start3A_22 = tpu.memref_slice %arg7[%dma_start3A_19, %dma_start3A_20, %dma_start3A_21] : memref<2x128x128xf32, #tpu.memory_space<vmem>> -> memref<1x128x128xf32, #tpu.memory_space<vmem>>
    %dma_start3A_23 = tpu.memref_squeeze %dma_start3A_22 : memref<1x128x128xf32, #tpu.memory_space<vmem>> -> memref<128x128xf32, #tpu.memory_space<vmem>>
    %dma_start3A_24 = arith.constant 0 : i32
    %dma_start3A_25 = tpu.memref_slice %arg2[%mul3A_8, %dma_start3A_24] : memref<160000x128xf32, #tpu.memory_space<hbm>> -> memref<128x128xf32, #tpu.memory_space<hbm>>
    %dma_start3A_26 = arith.constant 0 : i32
    %dma_start3A_27 = arith.constant 0 : i32
    %dma_start3A_28 = tpu.memref_slice %arg7[%dma_start3A_19, %dma_start3A_26, %dma_start3A_27] : memref<2x128x128xf32, #tpu.memory_space<vmem>> -> memref<1x128x128xf32, #tpu.memory_space<vmem>>
    %dma_start3A_29 = tpu.memref_squeeze %dma_start3A_28 : memref<1x128x128xf32, #tpu.memory_space<vmem>> -> memref<128x128xf32, #tpu.memory_space<vmem>>
    %dma_start3A_30 = arith.constant 0 : i32
    %dma_start3A_31 = tpu.memref_slice %arg2[%mul3A_8, %dma_start3A_30] : memref<160000x128xf32, #tpu.memory_space<hbm>> -> memref<128x128xf32, #tpu.memory_space<hbm>>
    tpu.enqueue_dma source(%dma_start3A_31 : memref<128x128xf32, #tpu.memory_space<hbm>>) target(%dma_start3A_29 : memref<128x128xf32, #tpu.memory_space<vmem>>) target_semaphore(%arg9 : memref<!tpu.dma_semaphore, #tpu.memory_space<semaphore_mem>>)
    %scan3A = arith.constant 0 : i32
    %scan3A_32 = arith.constant 0 : i32
    %scan3A_33 = arith.constant 20 : i32
    %scan3A_34 = arith.addi %scan3A_32, %scan3A_33 : i32
    %scan3A_35 = arith.constant 1 : i32
    scf.for %scan3A_42 = %scan3A_32 to %scan3A_34 step %scan3A_35  : i32 {
      %mul3A_43 = arith.constant 2 : i32
      %mul3A_44 = arith.muli %scan3A_42, %mul3A_43 : i32
      %add3A_45 = arith.constant 0 : i32
      %add3A_46 = arith.addi %mul3A_44, %add3A_45 : i32
      %mul3A_47 = arith.constant 32 : i32
      %mul3A_48 = arith.muli %add3A_46, %mul3A_47 : i32
      %add3A_49 = arith.addi %add3A, %mul3A_48 : i32
      %add3A_50 = arith.constant 1 : i32
      %add3A_51 = arith.addi %add3A_46, %add3A_50 : i32
      %mul3A_52 = arith.constant 32 : i32
      %mul3A_53 = arith.muli %add3A_51, %mul3A_52 : i32
      %add3A_54 = arith.addi %add3A, %mul3A_53 : i32
      %lt3A = arith.constant 1250 : i32
      %lt3A_55 = arith.cmpi slt, %add3A_54, %lt3A : i32
      %convert_element_type3A = arith.extui %lt3A_55 : i1 to i32
      %cond3A = arith.constant 0 : i32
      %cond3A_56 = arith.cmpi ne, %convert_element_type3A, %cond3A : i32
      scf.if %cond3A_56 {
        %add3A_84 = arith.constant 1 : i32
        %add3A_85 = arith.addi %add3A_46, %add3A_84 : i32
        %mul3A_86 = arith.constant 32 : i32
        %mul3A_87 = arith.muli %add3A_85, %mul3A_86 : i32
        %add3A_88 = arith.addi %add3A, %mul3A_87 : i32
        %mul3A_89 = arith.constant 128 : i32
        %mul3A_90 = arith.muli %add3A_88, %mul3A_89 : i32
        %add3A_91 = arith.constant 0 : i32
        %add3A_92 = arith.addi %add3A_91, %mul3A_90 : i32
        %dma_start3A_93 = arith.constant 1 : i32
        %dma_start3A_94 = arith.constant 0 : i32
        %dma_start3A_95 = tpu.memref_slice %arg8[%dma_start3A_93, %dma_start3A_94] : memref<2x128xi32, #tpu.memory_space<vmem>> -> memref<1x128xi32, #tpu.memory_space<vmem>>
        %dma_start3A_96 = tpu.memref_squeeze %dma_start3A_95 : memref<1x128xi32, #tpu.memory_space<vmem>> -> memref<128xi32, #tpu.memory_space<vmem>>
        %dma_start3A_97 = tpu.memref_slice %arg3[%add3A_92] : memref<320000xi32, #tpu.memory_space<hbm>> -> memref<128xi32, #tpu.memory_space<hbm>>
        %dma_start3A_98 = arith.constant 0 : i32
        %dma_start3A_99 = tpu.memref_slice %arg8[%dma_start3A_93, %dma_start3A_98] : memref<2x128xi32, #tpu.memory_space<vmem>> -> memref<1x128xi32, #tpu.memory_space<vmem>>
        %dma_start3A_100 = tpu.memref_squeeze %dma_start3A_99 : memref<1x128xi32, #tpu.memory_space<vmem>> -> memref<128xi32, #tpu.memory_space<vmem>>
        %dma_start3A_101 = tpu.memref_slice %arg3[%add3A_92] : memref<320000xi32, #tpu.memory_space<hbm>> -> memref<128xi32, #tpu.memory_space<hbm>>
        tpu.enqueue_dma source(%dma_start3A_101 : memref<128xi32, #tpu.memory_space<hbm>>) target(%dma_start3A_100 : memref<128xi32, #tpu.memory_space<vmem>>) target_semaphore(%arg10 : memref<!tpu.dma_semaphore, #tpu.memory_space<semaphore_mem>>)
        %dma_start3A_102 = arith.constant 1 : i32
        %dma_start3A_103 = arith.constant 0 : i32
        %dma_start3A_104 = arith.constant 0 : i32
        %dma_start3A_105 = tpu.memref_slice %arg7[%dma_start3A_102, %dma_start3A_103, %dma_start3A_104] : memref<2x128x128xf32, #tpu.memory_space<vmem>> -> memref<1x128x128xf32, #tpu.memory_space<vmem>>
        %dma_start3A_106 = tpu.memref_squeeze %dma_start3A_105 : memref<1x128x128xf32, #tpu.memory_space<vmem>> -> memref<128x128xf32, #tpu.memory_space<vmem>>
        %dma_start3A_107 = arith.constant 0 : i32
        %dma_start3A_108 = tpu.memref_slice %arg2[%mul3A_90, %dma_start3A_107] : memref<160000x128xf32, #tpu.memory_space<hbm>> -> memref<128x128xf32, #tpu.memory_space<hbm>>
        %dma_start3A_109 = arith.constant 0 : i32
        %dma_start3A_110 = arith.constant 0 : i32
        %dma_start3A_111 = tpu.memref_slice %arg7[%dma_start3A_102, %dma_start3A_109, %dma_start3A_110] : memref<2x128x128xf32, #tpu.memory_space<vmem>> -> memref<1x128x128xf32, #tpu.memory_space<vmem>>
        %dma_start3A_112 = tpu.memref_squeeze %dma_start3A_111 : memref<1x128x128xf32, #tpu.memory_space<vmem>> -> memref<128x128xf32, #tpu.memory_space<vmem>>
        %dma_start3A_113 = arith.constant 0 : i32
        %dma_start3A_114 = tpu.memref_slice %arg2[%mul3A_90, %dma_start3A_113] : memref<160000x128xf32, #tpu.memory_space<hbm>> -> memref<128x128xf32, #tpu.memory_space<hbm>>
        tpu.enqueue_dma source(%dma_start3A_114 : memref<128x128xf32, #tpu.memory_space<hbm>>) target(%dma_start3A_112 : memref<128x128xf32, #tpu.memory_space<vmem>>) target_semaphore(%arg10 : memref<!tpu.dma_semaphore, #tpu.memory_space<semaphore_mem>>)
      } else {
      }
      %lt3A_57 = arith.constant 1250 : i32
      %lt3A_58 = arith.cmpi slt, %add3A_49, %lt3A_57 : i32
      %convert_element_type3A_59 = arith.extui %lt3A_58 : i1 to i32
      %cond3A_60 = arith.constant 0 : i32
      %cond3A_61 = arith.cmpi ne, %convert_element_type3A_59, %cond3A_60 : i32
      scf.if %cond3A_61 {
        %dma_wait3A = arith.constant 0 : i32
        %dma_wait3A_84 = arith.constant 0 : i32
        %dma_wait3A_85 = tpu.memref_slice %arg8[%dma_wait3A, %dma_wait3A_84] : memref<2x128xi32, #tpu.memory_space<vmem>> -> memref<1x128xi32, #tpu.memory_space<vmem>>
        %dma_wait3A_86 = tpu.memref_squeeze %dma_wait3A_85 : memref<1x128xi32, #tpu.memory_space<vmem>> -> memref<128xi32, #tpu.memory_space<vmem>>
        %dma_wait3A_87 = arith.constant 0 : i32
        %dma_wait3A_88 = tpu.memref_slice %arg3[%dma_wait3A_87] : memref<320000xi32, #tpu.memory_space<hbm>> -> memref<128xi32, #tpu.memory_space<hbm>>
        %dma_wait3A_89 = arith.constant 0 : i32
        %dma_wait3A_90 = tpu.memref_slice %arg8[%dma_wait3A, %dma_wait3A_89] : memref<2x128xi32, #tpu.memory_space<vmem>> -> memref<1x128xi32, #tpu.memory_space<vmem>>
        %dma_wait3A_91 = tpu.memref_squeeze %dma_wait3A_90 : memref<1x128xi32, #tpu.memory_space<vmem>> -> memref<128xi32, #tpu.memory_space<vmem>>
        %dma_wait3A_92 = arith.constant 0 : i32
        %dma_wait3A_93 = tpu.memref_slice %arg3[%dma_wait3A_92] : memref<320000xi32, #tpu.memory_space<hbm>> -> memref<128xi32, #tpu.memory_space<hbm>>
        tpu.wait_dma2 semaphore(%arg9 : memref<!tpu.dma_semaphore, #tpu.memory_space<semaphore_mem>>) src(%dma_wait3A_93 : memref<128xi32, #tpu.memory_space<hbm>>) dst(%dma_wait3A_91 : memref<128xi32, #tpu.memory_space<vmem>>)
        %dma_wait3A_94 = arith.constant 0 : i32
        %dma_wait3A_95 = arith.constant 0 : i32
        %dma_wait3A_96 = arith.constant 0 : i32
        %dma_wait3A_97 = tpu.memref_slice %arg7[%dma_wait3A_94, %dma_wait3A_95, %dma_wait3A_96] : memref<2x128x128xf32, #tpu.memory_space<vmem>> -> memref<1x128x128xf32, #tpu.memory_space<vmem>>
        %dma_wait3A_98 = tpu.memref_squeeze %dma_wait3A_97 : memref<1x128x128xf32, #tpu.memory_space<vmem>> -> memref<128x128xf32, #tpu.memory_space<vmem>>
        %dma_wait3A_99 = arith.constant 0 : i32
        %dma_wait3A_100 = arith.constant 0 : i32
        %dma_wait3A_101 = tpu.memref_slice %arg2[%dma_wait3A_99, %dma_wait3A_100] : memref<160000x128xf32, #tpu.memory_space<hbm>> -> memref<128x128xf32, #tpu.memory_space<hbm>>
        %dma_wait3A_102 = arith.constant 0 : i32
        %dma_wait3A_103 = arith.constant 0 : i32
        %dma_wait3A_104 = tpu.memref_slice %arg7[%dma_wait3A_94, %dma_wait3A_102, %dma_wait3A_103] : memref<2x128x128xf32, #tpu.memory_space<vmem>> -> memref<1x128x128xf32, #tpu.memory_space<vmem>>
        %dma_wait3A_105 = tpu.memref_squeeze %dma_wait3A_104 : memref<1x128x128xf32, #tpu.memory_space<vmem>> -> memref<128x128xf32, #tpu.memory_space<vmem>>
        %dma_wait3A_106 = arith.constant 0 : i32
        %dma_wait3A_107 = arith.constant 0 : i32
        %dma_wait3A_108 = tpu.memref_slice %arg2[%dma_wait3A_106, %dma_wait3A_107] : memref<160000x128xf32, #tpu.memory_space<hbm>> -> memref<128x128xf32, #tpu.memory_space<hbm>>
        tpu.wait_dma2 semaphore(%arg9 : memref<!tpu.dma_semaphore, #tpu.memory_space<semaphore_mem>>) src(%dma_wait3A_108 : memref<128x128xf32, #tpu.memory_space<hbm>>) dst(%dma_wait3A_105 : memref<128x128xf32, #tpu.memory_space<vmem>>)
        %run_scoped3A = arith.constant 0 : i32
        %run_scoped3A_109 = arith.constant 0 : i32
        "tpu.region"() ({
          %run_scoped3A_110 = tpu.sem_alloc : memref<!tpu.dma_semaphore, #tpu.memory_space<semaphore_mem>>
          %dma_start3A_111 = arith.constant 0 : i32
          %dma_start3A_112 = arith.constant 0 : i32
          %dma_start3A_113 = tpu.memref_slice %arg7[%run_scoped3A, %dma_start3A_111, %dma_start3A_112] : memref<2x128x128xf32, #tpu.memory_space<vmem>> -> memref<1x128x128xf32, #tpu.memory_space<vmem>>
          %dma_start3A_114 = tpu.memref_squeeze %dma_start3A_113 : memref<1x128x128xf32, #tpu.memory_space<vmem>> -> memref<128x128xf32, #tpu.memory_space<vmem>>
          %dma_start3A_115 = arith.constant 0 : i32
          %dma_start3A_116 = tpu.memref_slice %arg8[%run_scoped3A_109, %dma_start3A_115] : memref<2x128xi32, #tpu.memory_space<vmem>> -> memref<1x128xi32, #tpu.memory_space<vmem>>
          %dma_start3A_117 = tpu.memref_squeeze %dma_start3A_116 : memref<1x128xi32, #tpu.memory_space<vmem>> -> memref<128xi32, #tpu.memory_space<vmem>>
          %dma_start3A_118 = arith.constant 0 : i32
          %dma_start3A_119 = arith.constant 0 : i32
          %dma_start3A_120 = tpu.memref_slice %arg6[%dma_start3A_118, %dma_start3A_119] : memref<10112x128xf32, #tpu.memory_space<vmem_shared>> -> memref<10112x128xf32, #tpu.memory_space<vmem_shared>>
          tpu.enqueue_indirect_dma source(%dma_start3A_114 : memref<128x128xf32, #tpu.memory_space<vmem>>) target(%dma_start3A_120 : memref<10112x128xf32, #tpu.memory_space<vmem_shared>>) offsets(%dma_start3A_117 : memref<128xi32, #tpu.memory_space<vmem>>) semaphore(%run_scoped3A_110 : memref<!tpu.dma_semaphore, #tpu.memory_space<semaphore_mem>>) {add = true}
          %dma_wait3A_121 = arith.constant 0 : i32
          %dma_wait3A_122 = arith.constant 0 : i32
          %dma_wait3A_123 = tpu.memref_slice %arg7[%run_scoped3A, %dma_wait3A_121, %dma_wait3A_122] : memref<2x128x128xf32, #tpu.memory_space<vmem>> -> memref<1x128x128xf32, #tpu.memory_space<vmem>>
          %dma_wait3A_124 = tpu.memref_squeeze %dma_wait3A_123 : memref<1x128x128xf32, #tpu.memory_space<vmem>> -> memref<128x128xf32, #tpu.memory_space<vmem>>
          %dma_wait3A_125 = arith.constant 0 : i32
          %dma_wait3A_126 = tpu.memref_slice %arg8[%run_scoped3A_109, %dma_wait3A_125] : memref<2x128xi32, #tpu.memory_space<vmem>> -> memref<1x128xi32, #tpu.memory_space<vmem>>
          %dma_wait3A_127 = tpu.memref_squeeze %dma_wait3A_126 : memref<1x128xi32, #tpu.memory_space<vmem>> -> memref<128xi32, #tpu.memory_space<vmem>>
          %dma_wait3A_128 = arith.constant 0 : i32
          %dma_wait3A_129 = arith.constant 0 : i32
          %dma_wait3A_130 = tpu.memref_slice %arg6[%dma_wait3A_128, %dma_wait3A_129] : memref<10112x128xf32, #tpu.memory_space<vmem_shared>> -> memref<10112x128xf32, #tpu.memory_space<vmem_shared>>
          tpu.wait_indirect_dma semaphore(%run_scoped3A_110 : memref<!tpu.dma_semaphore, #tpu.memory_space<semaphore_mem>>) src(%dma_wait3A_124 : memref<128x128xf32, #tpu.memory_space<vmem>>) dst(%dma_wait3A_130 : memref<10112x128xf32, #tpu.memory_space<vmem_shared>>)
          tpu.yield
        }) : () -> ()
      } else {
      }
      %mul3A_62 = arith.constant 2 : i32
      %mul3A_63 = arith.muli %scan3A_42, %mul3A_62 : i32
      %add3A_64 = arith.constant 1 : i32
      %add3A_65 = arith.addi %mul3A_63, %add3A_64 : i32
      %mul3A_66 = arith.constant 32 : i32
      %mul3A_67 = arith.muli %add3A_65, %mul3A_66 : i32
      %add3A_68 = arith.addi %add3A, %mul3A_67 : i32
      %add3A_69 = arith.constant 1 : i32
      %add3A_70 = arith.addi %add3A_65, %add3A_69 : i32
      %mul3A_71 = arith.constant 32 : i32
      %mul3A_72 = arith.muli %add3A_70, %mul3A_71 : i32
      %add3A_73 = arith.addi %add3A, %mul3A_72 : i32
      %lt3A_74 = arith.constant 1250 : i32
      %lt3A_75 = arith.cmpi slt, %add3A_73, %lt3A_74 : i32
      %convert_element_type3A_76 = arith.extui %lt3A_75 : i1 to i32
      %cond3A_77 = arith.constant 0 : i32
      %cond3A_78 = arith.cmpi ne, %convert_element_type3A_76, %cond3A_77 : i32
      scf.if %cond3A_78 {
        %add3A_84 = arith.constant 1 : i32
        %add3A_85 = arith.addi %add3A_65, %add3A_84 : i32
        %mul3A_86 = arith.constant 32 : i32
        %mul3A_87 = arith.muli %add3A_85, %mul3A_86 : i32
        %add3A_88 = arith.addi %add3A, %mul3A_87 : i32
        %mul3A_89 = arith.constant 128 : i32
        %mul3A_90 = arith.muli %add3A_88, %mul3A_89 : i32
        %add3A_91 = arith.constant 0 : i32
        %add3A_92 = arith.addi %add3A_91, %mul3A_90 : i32
        %dma_start3A_93 = arith.constant 0 : i32
        %dma_start3A_94 = arith.constant 0 : i32
        %dma_start3A_95 = tpu.memref_slice %arg8[%dma_start3A_93, %dma_start3A_94] : memref<2x128xi32, #tpu.memory_space<vmem>> -> memref<1x128xi32, #tpu.memory_space<vmem>>
        %dma_start3A_96 = tpu.memref_squeeze %dma_start3A_95 : memref<1x128xi32, #tpu.memory_space<vmem>> -> memref<128xi32, #tpu.memory_space<vmem>>
        %dma_start3A_97 = tpu.memref_slice %arg3[%add3A_92] : memref<320000xi32, #tpu.memory_space<hbm>> -> memref<128xi32, #tpu.memory_space<hbm>>
        %dma_start3A_98 = arith.constant 0 : i32
        %dma_start3A_99 = tpu.memref_slice %arg8[%dma_start3A_93, %dma_start3A_98] : memref<2x128xi32, #tpu.memory_space<vmem>> -> memref<1x128xi32, #tpu.memory_space<vmem>>
        %dma_start3A_100 = tpu.memref_squeeze %dma_start3A_99 : memref<1x128xi32, #tpu.memory_space<vmem>> -> memref<128xi32, #tpu.memory_space<vmem>>
        %dma_start3A_101 = tpu.memref_slice %arg3[%add3A_92] : memref<320000xi32, #tpu.memory_space<hbm>> -> memref<128xi32, #tpu.memory_space<hbm>>
        tpu.enqueue_dma source(%dma_start3A_101 : memref<128xi32, #tpu.memory_space<hbm>>) target(%dma_start3A_100 : memref<128xi32, #tpu.memory_space<vmem>>) target_semaphore(%arg9 : memref<!tpu.dma_semaphore, #tpu.memory_space<semaphore_mem>>)
        %dma_start3A_102 = arith.constant 0 : i32
        %dma_start3A_103 = arith.constant 0 : i32
        %dma_start3A_104 = arith.constant 0 : i32
        %dma_start3A_105 = tpu.memref_slice %arg7[%dma_start3A_102, %dma_start3A_103, %dma_start3A_104] : memref<2x128x128xf32, #tpu.memory_space<vmem>> -> memref<1x128x128xf32, #tpu.memory_space<vmem>>
        %dma_start3A_106 = tpu.memref_squeeze %dma_start3A_105 : memref<1x128x128xf32, #tpu.memory_space<vmem>> -> memref<128x128xf32, #tpu.memory_space<vmem>>
        %dma_start3A_107 = arith.constant 0 : i32
        %dma_start3A_108 = tpu.memref_slice %arg2[%mul3A_90, %dma_start3A_107] : memref<160000x128xf32, #tpu.memory_space<hbm>> -> memref<128x128xf32, #tpu.memory_space<hbm>>
        %dma_start3A_109 = arith.constant 0 : i32
        %dma_start3A_110 = arith.constant 0 : i32
        %dma_start3A_111 = tpu.memref_slice %arg7[%dma_start3A_102, %dma_start3A_109, %dma_start3A_110] : memref<2x128x128xf32, #tpu.memory_space<vmem>> -> memref<1x128x128xf32, #tpu.memory_space<vmem>>
        %dma_start3A_112 = tpu.memref_squeeze %dma_start3A_111 : memref<1x128x128xf32, #tpu.memory_space<vmem>> -> memref<128x128xf32, #tpu.memory_space<vmem>>
        %dma_start3A_113 = arith.constant 0 : i32
        %dma_start3A_114 = tpu.memref_slice %arg2[%mul3A_90, %dma_start3A_113] : memref<160000x128xf32, #tpu.memory_space<hbm>> -> memref<128x128xf32, #tpu.memory_space<hbm>>
        tpu.enqueue_dma source(%dma_start3A_114 : memref<128x128xf32, #tpu.memory_space<hbm>>) target(%dma_start3A_112 : memref<128x128xf32, #tpu.memory_space<vmem>>) target_semaphore(%arg9 : memref<!tpu.dma_semaphore, #tpu.memory_space<semaphore_mem>>)
      } else {
      }
      %lt3A_79 = arith.constant 1250 : i32
      %lt3A_80 = arith.cmpi slt, %add3A_68, %lt3A_79 : i32
      %convert_element_type3A_81 = arith.extui %lt3A_80 : i1 to i32
      %cond3A_82 = arith.constant 0 : i32
      %cond3A_83 = arith.cmpi ne, %convert_element_type3A_81, %cond3A_82 : i32
      scf.if %cond3A_83 {
        %dma_wait3A = arith.constant 1 : i32
        %dma_wait3A_84 = arith.constant 0 : i32
        %dma_wait3A_85 = tpu.memref_slice %arg8[%dma_wait3A, %dma_wait3A_84] : memref<2x128xi32, #tpu.memory_space<vmem>> -> memref<1x128xi32, #tpu.memory_space<vmem>>
        %dma_wait3A_86 = tpu.memref_squeeze %dma_wait3A_85 : memref<1x128xi32, #tpu.memory_space<vmem>> -> memref<128xi32, #tpu.memory_space<vmem>>
        %dma_wait3A_87 = arith.constant 0 : i32
        %dma_wait3A_88 = tpu.memref_slice %arg3[%dma_wait3A_87] : memref<320000xi32, #tpu.memory_space<hbm>> -> memref<128xi32, #tpu.memory_space<hbm>>
        %dma_wait3A_89 = arith.constant 0 : i32
        %dma_wait3A_90 = tpu.memref_slice %arg8[%dma_wait3A, %dma_wait3A_89] : memref<2x128xi32, #tpu.memory_space<vmem>> -> memref<1x128xi32, #tpu.memory_space<vmem>>
        %dma_wait3A_91 = tpu.memref_squeeze %dma_wait3A_90 : memref<1x128xi32, #tpu.memory_space<vmem>> -> memref<128xi32, #tpu.memory_space<vmem>>
        %dma_wait3A_92 = arith.constant 0 : i32
        %dma_wait3A_93 = tpu.memref_slice %arg3[%dma_wait3A_92] : memref<320000xi32, #tpu.memory_space<hbm>> -> memref<128xi32, #tpu.memory_space<hbm>>
        tpu.wait_dma2 semaphore(%arg10 : memref<!tpu.dma_semaphore, #tpu.memory_space<semaphore_mem>>) src(%dma_wait3A_93 : memref<128xi32, #tpu.memory_space<hbm>>) dst(%dma_wait3A_91 : memref<128xi32, #tpu.memory_space<vmem>>)
        %dma_wait3A_94 = arith.constant 1 : i32
        %dma_wait3A_95 = arith.constant 0 : i32
        %dma_wait3A_96 = arith.constant 0 : i32
        %dma_wait3A_97 = tpu.memref_slice %arg7[%dma_wait3A_94, %dma_wait3A_95, %dma_wait3A_96] : memref<2x128x128xf32, #tpu.memory_space<vmem>> -> memref<1x128x128xf32, #tpu.memory_space<vmem>>
        %dma_wait3A_98 = tpu.memref_squeeze %dma_wait3A_97 : memref<1x128x128xf32, #tpu.memory_space<vmem>> -> memref<128x128xf32, #tpu.memory_space<vmem>>
        %dma_wait3A_99 = arith.constant 0 : i32
        %dma_wait3A_100 = arith.constant 0 : i32
        %dma_wait3A_101 = tpu.memref_slice %arg2[%dma_wait3A_99, %dma_wait3A_100] : memref<160000x128xf32, #tpu.memory_space<hbm>> -> memref<128x128xf32, #tpu.memory_space<hbm>>
        %dma_wait3A_102 = arith.constant 0 : i32
        %dma_wait3A_103 = arith.constant 0 : i32
        %dma_wait3A_104 = tpu.memref_slice %arg7[%dma_wait3A_94, %dma_wait3A_102, %dma_wait3A_103] : memref<2x128x128xf32, #tpu.memory_space<vmem>> -> memref<1x128x128xf32, #tpu.memory_space<vmem>>
        %dma_wait3A_105 = tpu.memref_squeeze %dma_wait3A_104 : memref<1x128x128xf32, #tpu.memory_space<vmem>> -> memref<128x128xf32, #tpu.memory_space<vmem>>
        %dma_wait3A_106 = arith.constant 0 : i32
        %dma_wait3A_107 = arith.constant 0 : i32
        %dma_wait3A_108 = tpu.memref_slice %arg2[%dma_wait3A_106, %dma_wait3A_107] : memref<160000x128xf32, #tpu.memory_space<hbm>> -> memref<128x128xf32, #tpu.memory_space<hbm>>
        tpu.wait_dma2 semaphore(%arg10 : memref<!tpu.dma_semaphore, #tpu.memory_space<semaphore_mem>>) src(%dma_wait3A_108 : memref<128x128xf32, #tpu.memory_space<hbm>>) dst(%dma_wait3A_105 : memref<128x128xf32, #tpu.memory_space<vmem>>)
        %run_scoped3A = arith.constant 1 : i32
        %run_scoped3A_109 = arith.constant 1 : i32
        "tpu.region"() ({
          %run_scoped3A_110 = tpu.sem_alloc : memref<!tpu.dma_semaphore, #tpu.memory_space<semaphore_mem>>
          %dma_start3A_111 = arith.constant 0 : i32
          %dma_start3A_112 = arith.constant 0 : i32
          %dma_start3A_113 = tpu.memref_slice %arg7[%run_scoped3A, %dma_start3A_111, %dma_start3A_112] : memref<2x128x128xf32, #tpu.memory_space<vmem>> -> memref<1x128x128xf32, #tpu.memory_space<vmem>>
          %dma_start3A_114 = tpu.memref_squeeze %dma_start3A_113 : memref<1x128x128xf32, #tpu.memory_space<vmem>> -> memref<128x128xf32, #tpu.memory_space<vmem>>
          %dma_start3A_115 = arith.constant 0 : i32
          %dma_start3A_116 = tpu.memref_slice %arg8[%run_scoped3A_109, %dma_start3A_115] : memref<2x128xi32, #tpu.memory_space<vmem>> -> memref<1x128xi32, #tpu.memory_space<vmem>>
          %dma_start3A_117 = tpu.memref_squeeze %dma_start3A_116 : memref<1x128xi32, #tpu.memory_space<vmem>> -> memref<128xi32, #tpu.memory_space<vmem>>
          %dma_start3A_118 = arith.constant 0 : i32
          %dma_start3A_119 = arith.constant 0 : i32
          %dma_start3A_120 = tpu.memref_slice %arg6[%dma_start3A_118, %dma_start3A_119] : memref<10112x128xf32, #tpu.memory_space<vmem_shared>> -> memref<10112x128xf32, #tpu.memory_space<vmem_shared>>
          tpu.enqueue_indirect_dma source(%dma_start3A_114 : memref<128x128xf32, #tpu.memory_space<vmem>>) target(%dma_start3A_120 : memref<10112x128xf32, #tpu.memory_space<vmem_shared>>) offsets(%dma_start3A_117 : memref<128xi32, #tpu.memory_space<vmem>>) semaphore(%run_scoped3A_110 : memref<!tpu.dma_semaphore, #tpu.memory_space<semaphore_mem>>) {add = true}
          %dma_wait3A_121 = arith.constant 0 : i32
          %dma_wait3A_122 = arith.constant 0 : i32
          %dma_wait3A_123 = tpu.memref_slice %arg7[%run_scoped3A, %dma_wait3A_121, %dma_wait3A_122] : memref<2x128x128xf32, #tpu.memory_space<vmem>> -> memref<1x128x128xf32, #tpu.memory_space<vmem>>
          %dma_wait3A_124 = tpu.memref_squeeze %dma_wait3A_123 : memref<1x128x128xf32, #tpu.memory_space<vmem>> -> memref<128x128xf32, #tpu.memory_space<vmem>>
          %dma_wait3A_125 = arith.constant 0 : i32
          %dma_wait3A_126 = tpu.memref_slice %arg8[%run_scoped3A_109, %dma_wait3A_125] : memref<2x128xi32, #tpu.memory_space<vmem>> -> memref<1x128xi32, #tpu.memory_space<vmem>>
          %dma_wait3A_127 = tpu.memref_squeeze %dma_wait3A_126 : memref<1x128xi32, #tpu.memory_space<vmem>> -> memref<128xi32, #tpu.memory_space<vmem>>
          %dma_wait3A_128 = arith.constant 0 : i32
          %dma_wait3A_129 = arith.constant 0 : i32
          %dma_wait3A_130 = tpu.memref_slice %arg6[%dma_wait3A_128, %dma_wait3A_129] : memref<10112x128xf32, #tpu.memory_space<vmem_shared>> -> memref<10112x128xf32, #tpu.memory_space<vmem_shared>>
          tpu.wait_indirect_dma semaphore(%run_scoped3A_110 : memref<!tpu.dma_semaphore, #tpu.memory_space<semaphore_mem>>) src(%dma_wait3A_124 : memref<128x128xf32, #tpu.memory_space<vmem>>) dst(%dma_wait3A_130 : memref<10112x128xf32, #tpu.memory_space<vmem_shared>>)
          tpu.yield
        }) : () -> ()
      } else {
      }
    }
    %scan3A_36 = arith.constant 20 : i32
    %barrier3A_37 = arith.constant 0 : index
    tpu.barrier barrier_id(%barrier3A_37)
    %mul3A_38 = arith.constant 632 : i32
    %mul3A_39 = arith.muli %arg1, %mul3A_38 : i32
    %mul3A_40 = arith.constant 632 : i32
    %mul3A_41 = arith.muli %arg1, %mul3A_40 : i32
    "tpu.region"() ({
      %run_scoped3A = tpu.sem_alloc : memref<!tpu.dma_semaphore, #tpu.memory_space<semaphore_mem>>
      %dma_start3A_42 = arith.constant 0 : i32
      %dma_start3A_43 = tpu.memref_slice %arg5[%arg0, %mul3A_41, %dma_start3A_42] : memref<2x10112x128xf32, #tpu.memory_space<hbm>> -> memref<1x632x128xf32, #tpu.memory_space<hbm>>
      %dma_start3A_44 = tpu.memref_squeeze %dma_start3A_43 : memref<1x632x128xf32, #tpu.memory_space<hbm>> -> memref<632x128xf32, #tpu.memory_space<hbm>>
      %dma_start3A_45 = arith.constant 0 : i32
      %dma_start3A_46 = tpu.memref_slice %arg6[%mul3A_39, %dma_start3A_45] : memref<10112x128xf32, #tpu.memory_space<vmem_shared>> -> memref<632x128xf32, #tpu.memory_space<vmem_shared>>
      tpu.enqueue_dma source(%dma_start3A_46 : memref<632x128xf32, #tpu.memory_space<vmem_shared>>) target(%dma_start3A_44 : memref<632x128xf32, #tpu.memory_space<hbm>>) target_semaphore(%run_scoped3A : memref<!tpu.dma_semaphore, #tpu.memory_space<semaphore_mem>>)
      %dma_wait3A = arith.constant 0 : i32
      %dma_wait3A_47 = tpu.memref_slice %arg5[%arg0, %mul3A_41, %dma_wait3A] : memref<2x10112x128xf32, #tpu.memory_space<hbm>> -> memref<1x632x128xf32, #tpu.memory_space<hbm>>
      %dma_wait3A_48 = tpu.memref_squeeze %dma_wait3A_47 : memref<1x632x128xf32, #tpu.memory_space<hbm>> -> memref<632x128xf32, #tpu.memory_space<hbm>>
      %dma_wait3A_49 = arith.constant 0 : i32
      %dma_wait3A_50 = tpu.memref_slice %arg6[%mul3A_39, %dma_wait3A_49] : memref<10112x128xf32, #tpu.memory_space<vmem_shared>> -> memref<632x128xf32, #tpu.memory_space<vmem_shared>>
      tpu.wait_dma2 semaphore(%run_scoped3A : memref<!tpu.dma_semaphore, #tpu.memory_space<semaphore_mem>>) src(%dma_wait3A_50 : memref<632x128xf32, #tpu.memory_space<vmem_shared>>) dst(%dma_wait3A_48 : memref<632x128xf32, #tpu.memory_space<hbm>>)
      tpu.yield
    }) : () -> ()
    return
  }
}

#map = affine_map<(d0, d1) -> (0)>
module attributes {stable_mosaic.version = 14 : i64} {
  func.func @k(%arg0: i32, %arg1: i32, %arg2: memref<10000xi32, #tpu.memory_space<hbm>>, %arg3: memref<320000xi32, #tpu.memory_space<hbm>>, %arg4: memref<320000xi32, #tpu.memory_space<hbm>>, %arg5: memref<10000xi32, #tpu.memory_space<vmem>>, %arg6: memref<10000xi32, #tpu.memory_space<vmem>>, %arg7: memref<10000xi32, #tpu.memory_space<vmem>>) attributes {dimension_semantics = [#tpu.dimension_semantics<core_parallel>, #tpu.dimension_semantics<subcore_parallel>], iteration_bounds = array<i64: 2, 16>, scalar_prefetch = 0 : i64, scratch_operands = 3 : i64, tpu.core_type = #tpu.core_type<sc_vector_subcore>, window_params = [{transform_indices = #map}, {transform_indices = #map}, {transform_indices = #map}]} {
    %mul3A = arith.constant 16 : i32
    %mul3A_0 = arith.muli %arg0, %mul3A : i32
    %add3A = arith.addi %mul3A_0, %arg1 : i32
    %mul3A_1 = arith.constant 10000 : i32
    %mul3A_2 = arith.muli %add3A, %mul3A_1 : i32
    "tpu.region"() ({
      %run_scoped3A = tpu.sem_alloc : memref<!tpu.dma_semaphore, #tpu.memory_space<semaphore_mem>>
      tpu.enqueue_dma source(%arg2 : memref<10000xi32, #tpu.memory_space<hbm>>) target(%arg5 : memref<10000xi32, #tpu.memory_space<vmem>>) target_semaphore(%run_scoped3A : memref<!tpu.dma_semaphore, #tpu.memory_space<semaphore_mem>>)
      tpu.wait_dma2 semaphore(%run_scoped3A : memref<!tpu.dma_semaphore, #tpu.memory_space<semaphore_mem>>) src(%arg2 : memref<10000xi32, #tpu.memory_space<hbm>>) dst(%arg5 : memref<10000xi32, #tpu.memory_space<vmem>>)
      tpu.yield
    }) : () -> ()
    "tpu.region"() ({
      %run_scoped3A = tpu.sem_alloc : memref<!tpu.dma_semaphore, #tpu.memory_space<semaphore_mem>>
      %dma_start3A = tpu.memref_slice %arg3[%mul3A_2] : memref<320000xi32, #tpu.memory_space<hbm>> -> memref<10000xi32, #tpu.memory_space<hbm>>
      %dma_start3A_8 = tpu.memref_slice %arg3[%mul3A_2] : memref<320000xi32, #tpu.memory_space<hbm>> -> memref<10000xi32, #tpu.memory_space<hbm>>
      tpu.enqueue_dma source(%dma_start3A_8 : memref<10000xi32, #tpu.memory_space<hbm>>) target(%arg6 : memref<10000xi32, #tpu.memory_space<vmem>>) target_semaphore(%run_scoped3A : memref<!tpu.dma_semaphore, #tpu.memory_space<semaphore_mem>>)
      %dma_wait3A = tpu.memref_slice %arg3[%mul3A_2] : memref<320000xi32, #tpu.memory_space<hbm>> -> memref<10000xi32, #tpu.memory_space<hbm>>
      %dma_wait3A_9 = tpu.memref_slice %arg3[%mul3A_2] : memref<320000xi32, #tpu.memory_space<hbm>> -> memref<10000xi32, #tpu.memory_space<hbm>>
      tpu.wait_dma2 semaphore(%run_scoped3A : memref<!tpu.dma_semaphore, #tpu.memory_space<semaphore_mem>>) src(%dma_wait3A_9 : memref<10000xi32, #tpu.memory_space<hbm>>) dst(%arg6 : memref<10000xi32, #tpu.memory_space<vmem>>)
      tpu.yield
    }) : () -> ()
    %scan3A = arith.constant 0 : i32
    %scan3A_3 = arith.constant 0 : i32
    %scan3A_4 = arith.constant 625 : i32
    %scan3A_5 = arith.addi %scan3A_3, %scan3A_4 : i32
    %scan3A_6 = arith.constant 1 : i32
    scf.for %scan3A_8 = %scan3A_3 to %scan3A_5 step %scan3A_6  : i32 {
      %mul3A_9 = arith.constant 16 : i32
      %mul3A_10 = arith.muli %scan3A_8, %mul3A_9 : i32
      %get3A = arith.index_cast %mul3A_10 : i32 to index
      %get3A_11 = tpu.vector_load %arg6[%get3A] {strides = array<i32>} : memref<10000xi32, #tpu.memory_space<vmem>>, vector<16xi32>,
      %gather3A = tpu.vector_load_idx %arg5[%get3A_11] : memref<10000xi32, #tpu.memory_space<vmem>>[vector<16xi32>], vector<16xi32>,
      %mul3A_12 = arith.constant 16 : i32
      %mul3A_13 = arith.muli %scan3A_8, %mul3A_12 : i32
      %swap3A = arith.index_cast %mul3A_13 : i32 to index
      %swap3A_14 = tpu.vector_load %arg7[%swap3A] {strides = array<i32>} : memref<10000xi32, #tpu.memory_space<vmem>>, vector<16xi32>,
      tpu.vector_store %arg7[%swap3A], %gather3A {strides = array<i32>} : memref<10000xi32, #tpu.memory_space<vmem>>, vector<16xi32>,
    }
    %scan3A_7 = arith.constant 625 : i32
    "tpu.region"() ({
      %run_scoped3A = tpu.sem_alloc : memref<!tpu.dma_semaphore, #tpu.memory_space<semaphore_mem>>
      %dma_start3A = tpu.memref_slice %arg4[%mul3A_2] : memref<320000xi32, #tpu.memory_space<hbm>> -> memref<10000xi32, #tpu.memory_space<hbm>>
      %dma_start3A_8 = tpu.memref_slice %arg4[%mul3A_2] : memref<320000xi32, #tpu.memory_space<hbm>> -> memref<10000xi32, #tpu.memory_space<hbm>>
      tpu.enqueue_dma source(%arg7 : memref<10000xi32, #tpu.memory_space<vmem>>) target(%dma_start3A_8 : memref<10000xi32, #tpu.memory_space<hbm>>) target_semaphore(%run_scoped3A : memref<!tpu.dma_semaphore, #tpu.memory_space<semaphore_mem>>)
      %dma_wait3A = tpu.memref_slice %arg4[%mul3A_2] : memref<320000xi32, #tpu.memory_space<hbm>> -> memref<10000xi32, #tpu.memory_space<hbm>>
      %dma_wait3A_9 = tpu.memref_slice %arg4[%mul3A_2] : memref<320000xi32, #tpu.memory_space<hbm>> -> memref<10000xi32, #tpu.memory_space<hbm>>
      tpu.wait_dma2 semaphore(%run_scoped3A : memref<!tpu.dma_semaphore, #tpu.memory_space<semaphore_mem>>) src(%arg7 : memref<10000xi32, #tpu.memory_space<vmem>>) dst(%dma_wait3A_9 : memref<10000xi32, #tpu.memory_space<hbm>>)
      tpu.yield
    }) : () -> ()
    return
  }
}

module attributes {stable_mosaic.version = 14 : i64} {
  func.func @body(%arg0: memref<2500x128xf32, #tpu.memory_space<vmem>>, %arg1: memref<2500x128xi32, #tpu.memory_space<vmem>>, %arg2: memref<2500x128xf32, #tpu.memory_space<vmem>>) attributes {dimension_semantics = [], scalar_prefetch = 0 : i64, scratch_operands = 0 : i64, tpu.core_type = #tpu.core_type<tc>} {
    %get3A = arith.constant 0 : index
    %get3A_0 = arith.constant 0 : index
    %get3A_1 = vector.load %arg0[%get3A, %get3A_0] : memref<2500x128xf32, #tpu.memory_space<vmem>>, vector<2500x128xf32>
    %mul3A = arith.constant 0.628318548 : f32
    %mul3A_2 = vector.broadcast %mul3A : f32 to vector<2500x128xf32>
    %mul3A_3 = arith.mulf %get3A_1, %mul3A_2 : vector<2500x128xf32>
    %cos3A = math.cos %mul3A_3 : vector<2500x128xf32>
    %add3A = arith.constant 1.000000e+00 : f32
    %add3A_4 = vector.broadcast %add3A : f32 to vector<2500x128xf32>
    %add3A_5 = arith.addf %cos3A, %add3A_4 : vector<2500x128xf32>
    %mul3A_6 = arith.constant 5.000000e-01 : f32
    %mul3A_7 = vector.broadcast %mul3A_6 : f32 to vector<2500x128xf32>
    %mul3A_8 = arith.mulf %mul3A_7, %add3A_5 : vector<2500x128xf32>
    %lt3A = arith.constant 5.000000e+00 : f32
    %lt3A_9 = vector.broadcast %lt3A : f32 to vector<2500x128xf32>
    %lt3A_10 = arith.cmpf olt, %get3A_1, %lt3A_9 : vector<2500x128xf32>
    %jit3A = arith.constant 0.000000e+00 : f32
    %broadcast_in_dim3A = vector.broadcast %jit3A : f32 to vector<2500x128xf32>
    %select_n3A = arith.select %lt3A_10, %mul3A_8, %broadcast_in_dim3A : vector<2500x128xi1>, vector<2500x128xf32>
    %get3A_11 = arith.constant 0 : index
    %get3A_12 = arith.constant 0 : index
    %get3A_13 = vector.load %arg1[%get3A_11, %get3A_12] : memref<2500x128xi32, #tpu.memory_space<vmem>>, vector<2500x128xi32>
    %convert_element_type3A = arith.sitofp %get3A_13 : vector<2500x128xi32> to vector<2500x128xf32>
    %mul3A_14 = arith.constant 5.000000e-01 : f32
    %mul3A_15 = vector.broadcast %mul3A_14 : f32 to vector<2500x128xf32>
    %mul3A_16 = arith.mulf %mul3A_15, %select_n3A : vector<2500x128xf32>
    %add3A_17 = arith.constant 2.500000e-01 : f32
    %add3A_18 = vector.broadcast %add3A_17 : f32 to vector<2500x128xf32>
    %add3A_19 = arith.addf %add3A_18, %mul3A_16 : vector<2500x128xf32>
    %add3A_20 = arith.addf %convert_element_type3A, %add3A_19 : vector<2500x128xf32>
    %swap3A = arith.constant 0 : index
    %swap3A_21 = arith.constant 0 : index
    %swap3A_22 = vector.load %arg2[%swap3A, %swap3A_21] : memref<2500x128xf32, #tpu.memory_space<vmem>>, vector<2500x128xf32>
    tpu.vector_store %arg2[%swap3A, %swap3A_21], %add3A_20 {strides = array<i32>} : memref<2500x128xf32, #tpu.memory_space<vmem>>, vector<2500x128xf32>,
    return
  }
}

module attributes {stable_mosaic.version = 14 : i64} {
  func.func @body(%arg0: i32, %arg1: memref<400x8xf32, #tpu.memory_space<vmem>>, %arg2: memref<3200x64xf32, #tpu.memory_space<vmem>>, %arg3: memref<64x128xf32, #tpu.memory_space<vmem>>, %arg4: memref<1x128xf32, #tpu.memory_space<vmem>>, %arg5: memref<128x128xf32, #tpu.memory_space<vmem>>, %arg6: memref<3200x128xf32, #tpu.memory_space<vmem>>) attributes {dimension_semantics = [#tpu.dimension_semantics<arbitrary>], iteration_bounds = array<i64: 50>, scalar_prefetch = 0 : i64, scratch_operands = 0 : i64, tpu.core_type = #tpu.core_type<tc>, window_params = [{transform_indices = @transform_0, window_bounds = array<i64: 400, 8>}, {transform_indices = @transform_1, window_bounds = array<i64: 3200, 64>}, {pipeline_mode = #tpu.pipeline_mode<synchronous>, transform_indices = @transform_2, window_bounds = array<i64: 64, 128>}, {pipeline_mode = #tpu.pipeline_mode<synchronous>, transform_indices = @transform_3, window_bounds = array<i64: 1, 128>}, {pipeline_mode = #tpu.pipeline_mode<synchronous>, transform_indices = @transform_4, window_bounds = array<i64: 128, 128>}, {transform_indices = @transform_5, window_bounds = array<i64: 3200, 128>}]} {
    %get3A = arith.constant 0 : index
    %get3A_0 = arith.constant 0 : index
    %get3A_1 = vector.load %arg1[%get3A, %get3A_0] : memref<400x8xf32, #tpu.memory_space<vmem>>, vector<400x8xf32>
    %broadcast_in_dim3A = vector.shape_cast %get3A_1 : vector<400x8xf32> to vector<400x8x1xf32>
    %broadcast_in_dim3A_2 = vector.broadcast %broadcast_in_dim3A : vector<400x8x1xf32> to vector<400x8x128xf32>
    %floor3A = math.floor %broadcast_in_dim3A_2 : vector<400x8x128xf32>
    %sub3A = arith.subf %broadcast_in_dim3A_2, %floor3A : vector<400x8x128xf32>
    %sub3A_3 = arith.constant 2.500000e-01 : f32
    %sub3A_4 = vector.broadcast %sub3A_3 : f32 to vector<400x8x128xf32>
    %sub3A_5 = arith.subf %sub3A, %sub3A_4 : vector<400x8x128xf32>
    %mul3A = arith.constant 2.000000e+00 : f32
    %mul3A_6 = vector.broadcast %mul3A : f32 to vector<400x8x128xf32>
    %mul3A_7 = arith.mulf %sub3A_5, %mul3A_6 : vector<400x8x128xf32>
    %reshape3A = vector.shape_cast %mul3A_7 : vector<400x8x128xf32> to vector<3200x128xf32>
    %convert_element_type3A = arith.fptosi %floor3A : vector<400x8x128xf32> to vector<400x8x128xi32>
    %iota3A = tpu.iota {dimensions = array<i32: 2>} : vector<400x8x128xi32>
    %eq3A = arith.cmpi eq, %convert_element_type3A, %iota3A : vector<400x8x128xi32>
    %convert_element_type3A_8 = arith.extui %eq3A : vector<400x8x128xi1> to vector<400x8x128xi32>
    %convert_element_type3A_9 = arith.sitofp %convert_element_type3A_8 : vector<400x8x128xi32> to vector<400x8x128xf32>
    %reshape3A_10 = vector.shape_cast %convert_element_type3A_9 : vector<400x8x128xf32> to vector<3200x128xf32>
    %get3A_11 = arith.constant 0 : index
    %get3A_12 = arith.constant 0 : index
    %get3A_13 = vector.load %arg2[%get3A_11, %get3A_12] : memref<3200x64xf32, #tpu.memory_space<vmem>>, vector<3200x64xf32>
    %get3A_14 = arith.constant 0 : index
    %get3A_15 = arith.constant 0 : index
    %get3A_16 = vector.load %arg3[%get3A_14, %get3A_15] : memref<64x128xf32, #tpu.memory_space<vmem>>, vector<64x128xf32>
    %dot_general3A = arith.constant dense<0.000000e+00> : vector<3200x128xf32>
    %dot_general3A_17 = tpu.matmul %get3A_13, %get3A_16, %dot_general3A {dimension_numbers = #tpu.dot_dimension_numbers<[1], [0], [0], [1], [0, 0, 1, 1], [], []>, transpose_lhs_hint = false} : vector<3200x64xf32>, vector<64x128xf32>, vector<3200x128xf32> -> vector<3200x128xf32>
    %get3A_18 = arith.constant 0 : index
    %get3A_19 = arith.constant 0 : index
    %get3A_20 = vector.load %arg5[%get3A_18, %get3A_19] : memref<128x128xf32, #tpu.memory_space<vmem>>, vector<128x128xf32>
    %dot_general3A_21 = arith.constant dense<0.000000e+00> : vector<3200x128xf32>
    %dot_general3A_22 = tpu.matmul %reshape3A_10, %get3A_20, %dot_general3A_21 {dimension_numbers = #tpu.dot_dimension_numbers<[1], [0], [0], [1], [0, 0, 1, 1], [], []>, transpose_lhs_hint = false} : vector<3200x128xf32>, vector<128x128xf32>, vector<3200x128xf32> -> vector<3200x128xf32>
    %get3A_23 = arith.constant 0 : index
    %get3A_24 = arith.constant 0 : index
    %get3A_25 = vector.load %arg4[%get3A_23, %get3A_24] : memref<1x128xf32, #tpu.memory_space<vmem>>, vector<1x128xf32>
    %add3A = vector.broadcast %get3A_25 : vector<1x128xf32> to vector<3200x128xf32>
    %add3A_26 = arith.addf %dot_general3A_17, %add3A : vector<3200x128xf32>
    %mul3A_27 = arith.mulf %add3A_26, %reshape3A : vector<3200x128xf32>
    %mul3A_28 = arith.mulf %mul3A_27, %dot_general3A_22 : vector<3200x128xf32>
    %swap3A = arith.constant 0 : index
    %swap3A_29 = arith.constant 0 : index
    %swap3A_30 = vector.load %arg6[%swap3A, %swap3A_29] : memref<3200x128xf32, #tpu.memory_space<vmem>>, vector<3200x128xf32>
    tpu.vector_store %arg6[%swap3A, %swap3A_29], %mul3A_28 {strides = array<i32>} : memref<3200x128xf32, #tpu.memory_space<vmem>>, vector<3200x128xf32>,
    return
  }
  func.func @transform_0(%arg0: i32) -> (i32, i32) {
    %add3A = arith.constant 50 : i32
    %add3A_0 = arith.addi %arg0, %add3A : i32
    %c0_i32 = arith.constant 0 : i32
    %c0_i32_1 = arith.constant 0 : i32
    return %add3A_0, %c0_i32 : i32, i32
  }
  func.func @transform_1(%arg0: i32) -> (i32, i32) {
    %add3A = arith.constant 50 : i32
    %add3A_0 = arith.addi %arg0, %add3A : i32
    %c0_i32 = arith.constant 0 : i32
    %c0_i32_1 = arith.constant 0 : i32
    return %add3A_0, %c0_i32 : i32, i32
  }
  func.func @transform_2(%arg0: i32) -> (i32, i32) {
    %c0_i32 = arith.constant 0 : i32
    %c0_i32_0 = arith.constant 0 : i32
    %c0_i32_1 = arith.constant 0 : i32
    return %c0_i32, %c0_i32_0 : i32, i32
  }
  func.func @transform_3(%arg0: i32) -> (i32, i32) {
    %c0_i32 = arith.constant 0 : i32
    %c0_i32_0 = arith.constant 0 : i32
    %c0_i32_1 = arith.constant 0 : i32
    return %c0_i32, %c0_i32_0 : i32, i32
  }
  func.func @transform_4(%arg0: i32) -> (i32, i32) {
    %c0_i32 = arith.constant 0 : i32
    %c0_i32_0 = arith.constant 0 : i32
    %c0_i32_1 = arith.constant 0 : i32
    return %c0_i32, %c0_i32_0 : i32, i32
  }
  func.func @transform_5(%arg0: i32) -> (i32, i32) {
    %c0_i32 = arith.constant 0 : i32
    %c0_i32_0 = arith.constant 0 : i32
    return %arg0, %c0_i32 : i32, i32
  }
}

module attributes {stable_mosaic.version = 14 : i64} {
  func.func @body(%arg0: i32, %arg1: memref<400x8xf32, #tpu.memory_space<vmem>>, %arg2: memref<3200x64xf32, #tpu.memory_space<vmem>>, %arg3: memref<64x128xf32, #tpu.memory_space<vmem>>, %arg4: memref<1x128xf32, #tpu.memory_space<vmem>>, %arg5: memref<128x128xf32, #tpu.memory_space<vmem>>, %arg6: memref<3200x128xf32, #tpu.memory_space<vmem>>) attributes {dimension_semantics = [#tpu.dimension_semantics<arbitrary>], iteration_bounds = array<i64: 50>, scalar_prefetch = 0 : i64, scratch_operands = 0 : i64, tpu.core_type = #tpu.core_type<tc>, window_params = [{transform_indices = @transform_0, window_bounds = array<i64: 400, 8>}, {transform_indices = @transform_1, window_bounds = array<i64: 3200, 64>}, {pipeline_mode = #tpu.pipeline_mode<synchronous>, transform_indices = @transform_2, window_bounds = array<i64: 64, 128>}, {pipeline_mode = #tpu.pipeline_mode<synchronous>, transform_indices = @transform_3, window_bounds = array<i64: 1, 128>}, {pipeline_mode = #tpu.pipeline_mode<synchronous>, transform_indices = @transform_4, window_bounds = array<i64: 128, 128>}, {transform_indices = @transform_5, window_bounds = array<i64: 3200, 128>}]} {
    %get3A = arith.constant 0 : index
    %get3A_0 = arith.constant 0 : index
    %get3A_1 = vector.load %arg1[%get3A, %get3A_0] : memref<400x8xf32, #tpu.memory_space<vmem>>, vector<400x8xf32>
    %broadcast_in_dim3A = vector.shape_cast %get3A_1 : vector<400x8xf32> to vector<400x8x1xf32>
    %broadcast_in_dim3A_2 = vector.broadcast %broadcast_in_dim3A : vector<400x8x1xf32> to vector<400x8x128xf32>
    %floor3A = math.floor %broadcast_in_dim3A_2 : vector<400x8x128xf32>
    %sub3A = arith.subf %broadcast_in_dim3A_2, %floor3A : vector<400x8x128xf32>
    %sub3A_3 = arith.constant 2.500000e-01 : f32
    %sub3A_4 = vector.broadcast %sub3A_3 : f32 to vector<400x8x128xf32>
    %sub3A_5 = arith.subf %sub3A, %sub3A_4 : vector<400x8x128xf32>
    %mul3A = arith.constant 2.000000e+00 : f32
    %mul3A_6 = vector.broadcast %mul3A : f32 to vector<400x8x128xf32>
    %mul3A_7 = arith.mulf %sub3A_5, %mul3A_6 : vector<400x8x128xf32>
    %reshape3A = vector.shape_cast %mul3A_7 : vector<400x8x128xf32> to vector<3200x128xf32>
    %convert_element_type3A = arith.fptosi %floor3A : vector<400x8x128xf32> to vector<400x8x128xi32>
    %iota3A = tpu.iota {dimensions = array<i32: 2>} : vector<400x8x128xi32>
    %eq3A = arith.cmpi eq, %convert_element_type3A, %iota3A : vector<400x8x128xi32>
    %convert_element_type3A_8 = arith.extui %eq3A : vector<400x8x128xi1> to vector<400x8x128xi32>
    %convert_element_type3A_9 = arith.sitofp %convert_element_type3A_8 : vector<400x8x128xi32> to vector<400x8x128xf32>
    %reshape3A_10 = vector.shape_cast %convert_element_type3A_9 : vector<400x8x128xf32> to vector<3200x128xf32>
    %get3A_11 = arith.constant 0 : index
    %get3A_12 = arith.constant 0 : index
    %get3A_13 = vector.load %arg2[%get3A_11, %get3A_12] : memref<3200x64xf32, #tpu.memory_space<vmem>>, vector<3200x64xf32>
    %get3A_14 = arith.constant 0 : index
    %get3A_15 = arith.constant 0 : index
    %get3A_16 = vector.load %arg3[%get3A_14, %get3A_15] : memref<64x128xf32, #tpu.memory_space<vmem>>, vector<64x128xf32>
    %dot_general3A = arith.constant dense<0.000000e+00> : vector<3200x128xf32>
    %dot_general3A_17 = tpu.matmul %get3A_13, %get3A_16, %dot_general3A {dimension_numbers = #tpu.dot_dimension_numbers<[1], [0], [0], [1], [0, 0, 1, 1], [], []>, transpose_lhs_hint = false} : vector<3200x64xf32>, vector<64x128xf32>, vector<3200x128xf32> -> vector<3200x128xf32>
    %get3A_18 = arith.constant 0 : index
    %get3A_19 = arith.constant 0 : index
    %get3A_20 = vector.load %arg5[%get3A_18, %get3A_19] : memref<128x128xf32, #tpu.memory_space<vmem>>, vector<128x128xf32>
    %dot_general3A_21 = arith.constant dense<0.000000e+00> : vector<3200x128xf32>
    %dot_general3A_22 = tpu.matmul %reshape3A_10, %get3A_20, %dot_general3A_21 {dimension_numbers = #tpu.dot_dimension_numbers<[1], [0], [0], [1], [0, 0, 1, 1], [], []>, transpose_lhs_hint = false} : vector<3200x128xf32>, vector<128x128xf32>, vector<3200x128xf32> -> vector<3200x128xf32>
    %get3A_23 = arith.constant 0 : index
    %get3A_24 = arith.constant 0 : index
    %get3A_25 = vector.load %arg4[%get3A_23, %get3A_24] : memref<1x128xf32, #tpu.memory_space<vmem>>, vector<1x128xf32>
    %add3A = vector.broadcast %get3A_25 : vector<1x128xf32> to vector<3200x128xf32>
    %add3A_26 = arith.addf %dot_general3A_17, %add3A : vector<3200x128xf32>
    %mul3A_27 = arith.mulf %add3A_26, %reshape3A : vector<3200x128xf32>
    %mul3A_28 = arith.mulf %mul3A_27, %dot_general3A_22 : vector<3200x128xf32>
    %swap3A = arith.constant 0 : index
    %swap3A_29 = arith.constant 0 : index
    %swap3A_30 = vector.load %arg6[%swap3A, %swap3A_29] : memref<3200x128xf32, #tpu.memory_space<vmem>>, vector<3200x128xf32>
    tpu.vector_store %arg6[%swap3A, %swap3A_29], %mul3A_28 {strides = array<i32>} : memref<3200x128xf32, #tpu.memory_space<vmem>>, vector<3200x128xf32>,
    return
  }
  func.func @transform_0(%arg0: i32) -> (i32, i32) {
    %add3A = arith.constant 0 : i32
    %add3A_0 = arith.addi %arg0, %add3A : i32
    %c0_i32 = arith.constant 0 : i32
    %c0_i32_1 = arith.constant 0 : i32
    return %add3A_0, %c0_i32 : i32, i32
  }
  func.func @transform_1(%arg0: i32) -> (i32, i32) {
    %add3A = arith.constant 0 : i32
    %add3A_0 = arith.addi %arg0, %add3A : i32
    %c0_i32 = arith.constant 0 : i32
    %c0_i32_1 = arith.constant 0 : i32
    return %add3A_0, %c0_i32 : i32, i32
  }
  func.func @transform_2(%arg0: i32) -> (i32, i32) {
    %c0_i32 = arith.constant 0 : i32
    %c0_i32_0 = arith.constant 0 : i32
    %c0_i32_1 = arith.constant 0 : i32
    return %c0_i32, %c0_i32_0 : i32, i32
  }
  func.func @transform_3(%arg0: i32) -> (i32, i32) {
    %c0_i32 = arith.constant 0 : i32
    %c0_i32_0 = arith.constant 0 : i32
    %c0_i32_1 = arith.constant 0 : i32
    return %c0_i32, %c0_i32_0 : i32, i32
  }
  func.func @transform_4(%arg0: i32) -> (i32, i32) {
    %c0_i32 = arith.constant 0 : i32
    %c0_i32_0 = arith.constant 0 : i32
    %c0_i32_1 = arith.constant 0 : i32
    return %c0_i32, %c0_i32_0 : i32, i32
  }
  func.func @transform_5(%arg0: i32) -> (i32, i32) {
    %c0_i32 = arith.constant 0 : i32
    %c0_i32_0 = arith.constant 0 : i32
    return %arg0, %c0_i32 : i32, i32
  }
}

module attributes {stable_mosaic.version = 14 : i64} {
  func.func @body(%arg0: i32, %arg1: memref<400x128xf32, #tpu.memory_space<vmem>>, %arg2: memref<1x400x128xf32, #tpu.memory_space<vmem>>, %arg3: memref<1x400x128xf32, #tpu.memory_space<vmem>>, %arg4: memref<1x400x128xf32, #tpu.memory_space<vmem>>, %arg5: memref<1x400x128xf32, #tpu.memory_space<vmem>>, %arg6: memref<128x128xf32, #tpu.memory_space<vmem>>, %arg7: memref<128x128xf32, #tpu.memory_space<vmem>>, %arg8: memref<1x128xf32, #tpu.memory_space<vmem>>, %arg9: memref<400x128xf32, #tpu.memory_space<vmem>>) attributes {dimension_semantics = [#tpu.dimension_semantics<arbitrary>], iteration_bounds = array<i64: 25>, scalar_prefetch = 0 : i64, scratch_operands = 0 : i64, tpu.core_type = #tpu.core_type<tc>, window_params = [{transform_indices = @transform_0, window_bounds = array<i64: 400, 128>}, {transform_indices = @transform_1, window_bounds = array<i64: 1, 400, 128>}, {transform_indices = @transform_2, window_bounds = array<i64: 1, 400, 128>}, {transform_indices = @transform_3, window_bounds = array<i64: 1, 400, 128>}, {transform_indices = @transform_4, window_bounds = array<i64: 1, 400, 128>}, {pipeline_mode = #tpu.pipeline_mode<synchronous>, transform_indices = @transform_5, window_bounds = array<i64: 128, 128>}, {pipeline_mode = #tpu.pipeline_mode<synchronous>, transform_indices = @transform_6, window_bounds = array<i64: 128, 128>}, {pipeline_mode = #tpu.pipeline_mode<synchronous>, transform_indices = @transform_7, window_bounds = array<i64: 1, 128>}, {transform_indices = @transform_8, window_bounds = array<i64: 400, 128>}]} {
    %get3A = arith.constant 0 : index
    %get3A_0 = arith.constant 0 : index
    %get3A_1 = arith.constant 0 : index
    %get3A_2 = vector.load %arg2[%get3A, %get3A_0, %get3A_1] : memref<1x400x128xf32, #tpu.memory_space<vmem>>, vector<1x400x128xf32>
    %get3A_3 = vector.shape_cast %get3A_2 : vector<1x400x128xf32> to vector<400x128xf32>
    %get3A_4 = arith.constant 0 : index
    %get3A_5 = arith.constant 0 : index
    %get3A_6 = arith.constant 0 : index
    %get3A_7 = vector.load %arg3[%get3A_4, %get3A_5, %get3A_6] : memref<1x400x128xf32, #tpu.memory_space<vmem>>, vector<1x400x128xf32>
    %get3A_8 = vector.shape_cast %get3A_7 : vector<1x400x128xf32> to vector<400x128xf32>
    %add3A = arith.addf %get3A_3, %get3A_8 : vector<400x128xf32>
    %get3A_9 = arith.constant 0 : index
    %get3A_10 = arith.constant 0 : index
    %get3A_11 = arith.constant 0 : index
    %get3A_12 = vector.load %arg4[%get3A_9, %get3A_10, %get3A_11] : memref<1x400x128xf32, #tpu.memory_space<vmem>>, vector<1x400x128xf32>
    %get3A_13 = vector.shape_cast %get3A_12 : vector<1x400x128xf32> to vector<400x128xf32>
    %get3A_14 = arith.constant 0 : index
    %get3A_15 = arith.constant 0 : index
    %get3A_16 = arith.constant 0 : index
    %get3A_17 = vector.load %arg5[%get3A_14, %get3A_15, %get3A_16] : memref<1x400x128xf32, #tpu.memory_space<vmem>>, vector<1x400x128xf32>
    %get3A_18 = vector.shape_cast %get3A_17 : vector<1x400x128xf32> to vector<400x128xf32>
    %add3A_19 = arith.addf %get3A_13, %get3A_18 : vector<400x128xf32>
    %add3A_20 = arith.addf %add3A, %add3A_19 : vector<400x128xf32>
    %get3A_21 = arith.constant 0 : index
    %get3A_22 = arith.constant 0 : index
    %get3A_23 = vector.load %arg1[%get3A_21, %get3A_22] : memref<400x128xf32, #tpu.memory_space<vmem>>, vector<400x128xf32>
    %get3A_24 = arith.constant 0 : index
    %get3A_25 = arith.constant 0 : index
    %get3A_26 = vector.load %arg6[%get3A_24, %get3A_25] : memref<128x128xf32, #tpu.memory_space<vmem>>, vector<128x128xf32>
    %dot_general3A = arith.constant dense<0.000000e+00> : vector<400x128xf32>
    %dot_general3A_27 = tpu.matmul %get3A_23, %get3A_26, %dot_general3A {dimension_numbers = #tpu.dot_dimension_numbers<[1], [0], [0], [1], [0, 0, 1, 1], [], []>, transpose_lhs_hint = false} : vector<400x128xf32>, vector<128x128xf32>, vector<400x128xf32> -> vector<400x128xf32>
    %get3A_28 = arith.constant 0 : index
    %get3A_29 = arith.constant 0 : index
    %get3A_30 = vector.load %arg7[%get3A_28, %get3A_29] : memref<128x128xf32, #tpu.memory_space<vmem>>, vector<128x128xf32>
    %dot_general3A_31 = arith.constant dense<0.000000e+00> : vector<400x128xf32>
    %dot_general3A_32 = tpu.matmul %add3A_20, %get3A_30, %dot_general3A_31 {dimension_numbers = #tpu.dot_dimension_numbers<[1], [0], [0], [1], [0, 0, 1, 1], [], []>, transpose_lhs_hint = false} : vector<400x128xf32>, vector<128x128xf32>, vector<400x128xf32> -> vector<400x128xf32>
    %add3A_33 = arith.addf %dot_general3A_27, %dot_general3A_32 : vector<400x128xf32>
    %get3A_34 = arith.constant 0 : index
    %get3A_35 = arith.constant 0 : index
    %get3A_36 = vector.load %arg8[%get3A_34, %get3A_35] : memref<1x128xf32, #tpu.memory_space<vmem>>, vector<1x128xf32>
    %add3A_37 = vector.broadcast %get3A_36 : vector<1x128xf32> to vector<400x128xf32>
    %add3A_38 = arith.addf %add3A_33, %add3A_37 : vector<400x128xf32>
    %swap3A = arith.constant 0 : index
    %swap3A_39 = arith.constant 0 : index
    %swap3A_40 = vector.load %arg9[%swap3A, %swap3A_39] : memref<400x128xf32, #tpu.memory_space<vmem>>, vector<400x128xf32>
    tpu.vector_store %arg9[%swap3A, %swap3A_39], %add3A_38 {strides = array<i32>} : memref<400x128xf32, #tpu.memory_space<vmem>>, vector<400x128xf32>,
    return
  }
  func.func @transform_0(%arg0: i32) -> (i32, i32) {
    %c0_i32 = arith.constant 0 : i32
    %c0_i32_0 = arith.constant 0 : i32
    return %arg0, %c0_i32 : i32, i32
  }
  func.func @transform_1(%arg0: i32) -> (i32, i32, i32) {
    %c0_i32 = arith.constant 0 : i32
    %c0_i32_0 = arith.constant 0 : i32
    %c0_i32_1 = arith.constant 0 : i32
    return %c0_i32, %arg0, %c0_i32_0 : i32, i32, i32
  }
  func.func @transform_2(%arg0: i32) -> (i32, i32, i32) {
    %c1_i32 = arith.constant 1 : i32
    %c0_i32 = arith.constant 0 : i32
    %c0_i32_0 = arith.constant 0 : i32
    return %c1_i32, %arg0, %c0_i32 : i32, i32, i32
  }
  func.func @transform_3(%arg0: i32) -> (i32, i32, i32) {
    %c0_i32 = arith.constant 0 : i32
    %c0_i32_0 = arith.constant 0 : i32
    %c0_i32_1 = arith.constant 0 : i32
    return %c0_i32, %arg0, %c0_i32_0 : i32, i32, i32
  }
  func.func @transform_4(%arg0: i32) -> (i32, i32, i32) {
    %c1_i32 = arith.constant 1 : i32
    %c0_i32 = arith.constant 0 : i32
    %c0_i32_0 = arith.constant 0 : i32
    return %c1_i32, %arg0, %c0_i32 : i32, i32, i32
  }
  func.func @transform_5(%arg0: i32) -> (i32, i32) {
    %c0_i32 = arith.constant 0 : i32
    %c0_i32_0 = arith.constant 0 : i32
    %c0_i32_1 = arith.constant 0 : i32
    return %c0_i32, %c0_i32_0 : i32, i32
  }
  func.func @transform_6(%arg0: i32) -> (i32, i32) {
    %c0_i32 = arith.constant 0 : i32
    %c0_i32_0 = arith.constant 0 : i32
    %c0_i32_1 = arith.constant 0 : i32
    return %c0_i32, %c0_i32_0 : i32, i32
  }
  func.func @transform_7(%arg0: i32) -> (i32, i32) {
    %c0_i32 = arith.constant 0 : i32
    %c0_i32_0 = arith.constant 0 : i32
    %c0_i32_1 = arith.constant 0 : i32
    return %c0_i32, %c0_i32_0 : i32, i32
  }
  func.func @transform_8(%arg0: i32) -> (i32, i32) {
    %c0_i32 = arith.constant 0 : i32
    %c0_i32_0 = arith.constant 0 : i32
    return %arg0, %c0_i32 : i32, i32
  }
}

</mosaic_0001>

<sc_bundles>
// kernel: kernel.12.cloned.1.call-start
scs
__scs_entry_jumppad:
0x0: {  	(pc) =	sbr.rel $0x88, $3  }
0x1: {  	(tag) =	ssettag $0x0;
	lr =	simm.s32 $0x1  }
0x2: {  	[smem:$0x3F97] =	sst lr;
	_ =	strace $0xD0000000  }
0x3: {  	_ = 	snop  }
0x4: {  	_ = 	snop  }
0x5: {  	_ = 	snop  }
0x6: {  	_ = 	snop  }
0x7: {  	_ = 	snop  }
__scs_overlays_trampoline_lowered:
0x8: {  	[smem:$0x3FA6] =	sst s0  }
0x9: {  	[smem:$0x3FA7] =	sst s1  }
0xa: {  	[smem:$0x3FA8] =	sst s2  }
0xb: {  	[smem:$0x3FA9] =	sst s3  }
0xc: {  	[smem:$0x3FAA] =	sst s4  }
0xd: {  	[smem:$0x3FAB] =	sst s5  }
0xe: {  	[smem:$0x3FAC] =	sst s6  }
0xf: {  	[smem:$0x3FAD] =	sst s7  }
0x10: {  	[smem:$0x3FAE] =	sst s8  }
0x11: {  	[smem:$0x3FAF] =	sst s9;
	s0 =	simm.s32 @!p0 $0x0  }
0x12: {  	s1 =	sld [smem:$0x3F95];
	s0 =	simm.s32 @p0 $0x1  }
0x13: {  	[smem:$0x3FB0] =	sst s0;
	s0 =	simm.s32 @!p1 $0x0  }
0x14: {  	s2 =	sld [smem:$0x3F94];
	s0 =	simm.s32 @p1 $0x1  }
0x15: {  	[smem:$0x3FB1] =	sst s0;
	s0 =	simm.s32 @!p2 $0x0  }
0x16: {  	s3 =	sld [smem:$0x3FDB];
	s0 =	simm.s32 @p2 $0x1  }
0x17: {  	s4 =	simm.s32 $0x1BF5;
	[smem:$0x3FB3] =	sst s0  }
0x18: {  	s0 =	sld [smem:$0x3F96];
	_ =	swait.ge [sflag:s4], $0x0  }
0x19: {  	s7 =	sld [smem:$0x3F97]  }
0x1a: {  	s8 =	sadd.s32 $0xFFFFE003, lr  }
0x1b: {  	s9 =	sadd.s32 $0xFFFFFEF7, lr;
	s5 =	simm.s32 $0xFFFFFFFF;
	p2 =	slt.u32 s8, $0xFFFFF086  }
0x1c: {  	p1 =	slt.u32 s9, $0xF7A;
	s5 =	simm.s32 @!p2 $0x0  }
0x1d: {  	s5 =	simm.s32 @p1 $0x1;
	p0 =	seq.s32 s7, s2  }
0x1e: {  	s7 =	smul.u32 @!p0 $0xF7A, s2;
	p2 =	seq.s32 @!p0 s5, $0x0  }
0x1f: {  	s9 =	smul.u32 $0xF7A, s1;
	s8 =	simm.s32 @!p0 $0x1BF5;
	p2 =	por !p2, p0  }
0x20: {  	[sflag:s8] =	ssyncset.s32 @!p0 $0xFFFFF086;
	s6 =	sadd.s32 @!p0 s3, s7;
	s7 =	simm.s32 @!p0 $0x108  }
0x21: {  	s3 =	sadd.s32 s3, s9;
	s6 =	sadd.s32 @!p0 $0x88, s6;
	s7 =	simm.s32 @p2 $0x1082  }
0x22: {  	[simem:s7], [sflag:s8] =	dma.local @!p0 [hbm:s6], $0xF7A  }
0x23: {  	s9 =	sor.u32 $0xD0000000, s2;
	s6 =	simm.s32 $0x108;
	_ =	swait.ge @!p0 [sflag:s8], $0x0  }
0x24: {  	s3 =	sadd.s32 $0x88, s3;
	s6 =	simm.s32 @!p1 $0x1082;
	[sflag:s4] =	ssyncset.s32 $0xFFFFF086  }
0x25: {  	[simem:s6], [sflag:s4] =	dma.local [hbm:s3], $0xF7A  }
0x26: {  	[smem:$0x3F97] =	sst s1;
	(tag) =	ssettag s2;
	_ =	strace s9  }
0x27: {  	s1 =	sld [smem:$0x3FA7]  }
0x28: {  	s2 =	sld [smem:$0x3FA8]  }
0x29: {  	s4 =	sld [smem:$0x3FAA]  }
0x2a: {  	p0 =	seq.s32 s5, $0x0;
	s5 =	sld [smem:$0x3FAB]  }
0x2b: {  	s6 =	sld [smem:$0x3FAC]  }
0x2c: {  	s7 =	sld [smem:$0x3FAD]  }
0x2d: {  	s3 =	simm.s32 $0x108;
	s8 =	sld [smem:$0x3FAE]  }
0x2e: {  	s3 =	simm.s32 @!p0 $0x1082;
	s9 =	sld [smem:$0x3FAF]  }
0x2f: {  	lr =	sadd.s32 s0, s3;
	s0 =	sld [smem:$0x3FA6]  }
0x30: {  	s3 =	sld [smem:$0x3FA9]  }
0x31: {  	[smem:$0x3FB2] =	sst s10  }
0x32: {  	s10 =	sld [smem:$0x3FB0];
	_ =	sdelay $0x3  }
0x33: {  	p0 =	seq.s32 s10, $0x1;
	s10 =	sld [smem:$0x3FB2];
	_ =	sdelay $0x3  }
0x34: {  	[smem:$0x3FB2] =	sst s10  }
0x35: {  	s10 =	sld [smem:$0x3FB1];
	_ =	sdelay $0x3  }
0x36: {  	p1 =	seq.s32 s10, $0x1;
	s10 =	sld [smem:$0x3FB2];
	_ =	sdelay $0x3  }
0x37: {  	[smem:$0x3FB2] =	sst s10  }
0x38: {  	s10 =	sld [smem:$0x3FB3]  }
0x39: {  	_ = 	snop;
	(pc) =	sbr.ind lr, $3  }
0x3a: {  	_ = 	snop  }
0x3b: {  	_ = 	snop  }
0x3c: {  	p2 =	seq.s32 s10, $0x1;
	s10 =	sld [smem:$0x3FB2]  }
0x3d: {  	_ =	shalt  }
0x3e: {  	_ =	shalt  }
0x3f: {  	_ =	shalt  }
0x40: {  	_ =	shalt  }
0x41: {  	_ =	shalt  }
0x42: {  	_ =	shalt  }
0x43: {  	_ =	shalt  }
0x44: {  	_ =	shalt  }
0x45: {  	_ =	shalt  }
0x46: {  	_ =	shalt  }
0x47: {  	_ =	shalt  }
0x48: {  	_ =	shalt  }
0x49: {  	_ =	shalt  }
0x4a: {  	_ =	shalt  }
0x4b: {  	_ =	shalt  }
0x4c: {  	_ =	shalt  }
0x4d: {  	_ =	shalt  }
0x4e: {  	_ =	shalt  }
0x4f: {  	_ =	shalt  }
0x50: {  	_ =	shalt  }
0x51: {  	_ =	shalt  }
0x52: {  	_ =	shalt  }
0x53: {  	_ =	shalt  }
0x54: {  	_ =	shalt  }
0x55: {  	_ =	shalt  }
0x56: {  	_ =	shalt  }
0x57: {  	_ =	shalt  }
0x58: {  	_ =	shalt  }
0x59: {  	_ =	shalt  }
0x5a: {  	_ =	shalt  }
0x5b: {  	_ =	shalt  }
0x5c: {  	_ =	shalt  }
0x5d: {  	_ =	shalt  }
0x5e: {  	_ =	shalt  }
0x5f: {  	_ =	shalt  }
0x60: {  	_ =	shalt  }
0x61: {  	_ =	shalt  }
0x62: {  	_ =	shalt  }
0x63: {  	_ =	shalt  }
0x64: {  	_ =	shalt  }
0x65: {  	_ =	shalt  }
0x66: {  	_ =	shalt  }
0x67: {  	_ =	shalt  }
0x68: {  	_ =	shalt  }
0x69: {  	_ =	shalt  }
0x6a: {  	_ =	shalt  }
0x6b: {  	_ =	shalt  }
0x6c: {  	_ =	shalt  }
0x6d: {  	_ =	shalt  }
0x6e: {  	_ =	shalt  }
0x6f: {  	_ =	shalt  }
0x70: {  	_ =	shalt  }
0x71: {  	_ =	shalt  }
0x72: {  	_ =	shalt  }
0x73: {  	_ =	shalt  }
0x74: {  	_ =	shalt  }
0x75: {  	_ =	shalt  }
0x76: {  	_ =	shalt  }
0x77: {  	_ =	shalt  }
0x78: {  	_ =	shalt  }
0x79: {  	_ =	shalt  }
0x7a: {  	_ =	shalt  }
0x7b: {  	_ =	shalt  }
0x7c: {  	_ =	shalt  }
0x7d: {  	_ =	shalt  }
0x7e: {  	_ =	shalt  }
0x7f: {  	_ =	shalt  }
0x80: {  	_ =	shalt  }
0x81: {  	_ =	shalt  }
0x82: {  	_ =	shalt  }
0x83: {  	_ =	shalt  }
0x84: {  	_ =	shalt  }
0x85: {  	_ =	shalt  }
0x86: {  	_ =	shalt  }
0x87: {  	_ =	shalt  }
.Lfunc_end0:
.L_simem_size_0:
called_computation.1_lowered:
.L_overlay_start_0:
0x88: {  	s2 =	sld [smem:$0x3FD9]  }
0x89: {  	s3 =	sld [smem:$0x3FFE];
	_ =	sdelay $0x1  }
0x8a: {  	s1 =	srdreg.scid  }
0x8b: {  	s0 =	sand.u32 $0x1, s1  }
0x8c: {  	s17 =	sshll.u32 s0, $0xA;
	s2 =	sadd.s32 s3, s2  }
0x8d: {  	s2 =	sadd.s32 s2, s17  }
0x8e: {  	[smem:$0x3FBE] =	sst s2  }
0x8f: {  	_ = 	snop  }
0x90: {  	s18 =	sld [smem:$0x3FD0];
	(tm) =	ssettm $0x1  }
0x91: {  	s19 =	sld [smem:$0x3FFB];
	_ =	sdelay $0x3  }
0x92: {  	_ =	strace s19  }
0x93: {  	s2 =	sld [smem:$0x3FFC];
	_ =	sdelay $0x3  }
0x94: {  	_ =	strace s2  }
0x95: {  	s2 =	sld [smem:$0x3FFD];
	_ =	sdelay $0x3  }
0x96: {  	_ =	strace s2  }
0x97: {  	_ =	strace $0x8FFFFFFF  }
0x98: {  	s20 =	sld [smem:$0x3FDB];
	_ =	sdelay $0x1  }
0x99: {  	s4 =	simm.s32 $_scs_section_size  }
0x9a: {  	s5 =	simm.s32 $_size__tile_overlayer_lowered;
	s6 =	simm.s32 $_tile_overlayer_lowered  }
0x9b: {  	s7 =	simm.s32 $0x1BFF;
	s21 =	sshll.u32 s6, $0x1;
	s4 =	sadd.s32 s4, s20  }
0x9c: {  	s22 =	simm.s32 $0x0;
	s5 =	sshll.u32 s5, $0x1;
	s6 =	sadd.s32 s21, s4  }
0x9d: {  	[timem:s22], [sflag:s7] =	dma.local [hbm:s6], s5  }
0x9e: {  	_ =	swait.ge [sflag:s7], s5  }
0x9f: {  	s5 =	ssub.s32 $0x0, s5;
	[sflag:s7] =	ssyncset.done $0x0  }
0xa0: {  	[sflag:s7] =	ssyncadd.s32 s5;
	_ =	sdelay $0x1  }
0xa1: {  	s23 =	simm.s32 $0x1B8B  }
0xa2: {  	_ =	swait.ge [sflag:s23], $0x1  }
0xa3: {  	[sflag:s23] =	ssyncset.done $0x0  }
0xa4: {  	[sflag:s23] =	ssyncadd.s32 $0xFFFFFFFF  }
0xa5: {  	s5 =	sld [smem:$0x0]  }
0xa6: {  	s6 =	sand.u32 $0xFFFFFFFE, s1  }
0xa7: {  	p0 =	sne.s32 s1, s6  }
0xa8: {  	s6 =	sshll.u32 @p0 s6, $0xE  }
0xa9: {  	s6 =	sadd.s32 @p0 $0x11B8D, s6;
	s7 =	sshll.u32 @p0 s5, $0x11  }
0xaa: {  	s6 =	sor.u32 @p0 s7, s6  }
0xab: {  	[sflag:s6] =	ssyncadd.remote.s32 @p0 $0x1;
	_ =	sdelay $0x1  }
0xac: {  	s6 =	simm.s32 @p0 $0x1B8D  }
0xad: {  	_ =	swait.eq @p0 [sflag:s6], $0x1  }
0xae: {  	[sflag:s6] =	ssyncadd.s32 @p0 $0xFFFFFFFF  }
0xaf: {  	s7 =	sshll.u32 @!p0 s1, $0xE  }
0xb0: {  	s7 =	sor.u32 @!p0 $0x4000, s7;
	s6 =	simm.s32 @!p0 $0x1B8D  }
0xb1: {  	s5 =	sshll.u32 @!p0 s5, $0x11;
	s7 =	sadd.s32 @!p0 $0x11B8D, s7;
	_ =	swait.eq @!p0 [sflag:s6], $0x1  }
0xb2: {  	s5 =	sor.u32 @!p0 s5, s7;
	[sflag:s6] =	ssyncadd.s32 @!p0 $0xFFFFFFFF  }
0xb3: {  	s25 =	simm.s32 $0x1B8E;
	s24 =	sld [smem:$0x3FFE];
	[sflag:s5] =	ssyncadd.remote.s32 @!p0 $0x1  }
0xb4: {  	s26 =	simm.s32 $execute0_lowered;
	[smem:$0x3FD2] =	sst s25  }
0xb5: {  	s6 =	sshll.u32 s26, $0x1;
	_ =	strace $0x8000004C;
	[dreg:$0x1] =	wrdreg $0xFFFFFFFF  }
0xb6: {  	s28 =	simm.s32 $_size_execute0_lowered;
	s4 =	sadd.s32 s4, s6;
	[dreg:$0x0] =	wrdreg $0x0  }
0xb7: {  	s6 =	sshll.u32 s28, $0x1;
	[dreg:$0x2] =	wrdreg s4  }
0xb8: {  	[dreg:$0x3] =	wrdreg s6  }
0xb9: {  	[dreg:$0x4] =	wrdreg $0xC0  }
0xba: {  	_ =	task [dreg:s22], $0x5FFFF  }
0xbb: {  	[dreg:$0x1] =	wrdreg $0xFFFFFFFF  }
0xbc: {  	[dreg:$0x0] =	wrdreg $0x60  }
0xbd: {  	[dreg:$0x2] =	wrdreg s24  }
0xbe: {  	[dreg:$0x3] =	wrdreg s18  }
0xbf: {  	[dreg:$0x4] =	wrdreg $0x0  }
0xc0: {  	[dreg:$0x5] =	wrdreg $0x9  }
0xc1: {  	_ =	task.clear_ibuf [dreg:s22], $0x6FFFF;
	_ =	strace $0x9000004C  }
0xc2: {  	s29 =	simm.s32 $0x9;
	_ =	strace $0x8000004E  }
0xc3: {  	_ =	swait.ge [sflag:s29], $0x1  }
0xc4: {  	[sflag:s29] =	ssyncadd.s32 $0xFFFFFFFF  }
0xc5: {  	_ =	strace $0x9000004E  }
0xc6: {  	_ =	sfence  }
0xc7: {  	s30 =	sld [smem:$0x0];
	_ =	sdelay $0x2  }
0xc8: {  	s31 =	sshll.u32 s1, $0xD;
	s1 =	sshrl.u32 s1, $0x2  }
0xc9: {  	s4 =	sand.u32 $0x4000, s31;
	s1 =	sadd.s32 s1, s30  }
0xca: {  	s0 =	sor.u32 s4, s0;
	s1 =	sshll.u32 s1, $0x11  }
0xcb: {  	s0 =	sor.u32 s1, s0  }
0xcc: {  	s0 =	sadd.s32 $0x8F2B, s0  }
0xcd: {  	[sflag:s0] =	ssyncadd.remote.s32 $0x1  }
0xce: {  	_ =	sfence.sel $0xFFFF  }
0xcf: {  	[dreg:$0x0] =	wrdreg $0xFFFFFFFF;
	(pc) =	sbr.abs _section_cstart, $3  }
0xd0: {  	[dreg:$0x1] =	wrdreg $0xFFFFFFFF  }
0xd1: {  	_ =	task.clear_ibuf [dreg:s22], $0x2FFFF;
	_ =	strace $0x9FFFFFFF  }
0xd2: {  	(tm) =	ssettm $0x7FFFFFFF  }
0xd3: {  	_ =	shalt  }
tec
execute0_lowered:
.L_overlay_start_1:
0x0: {  	(tag) =	ssettag $0x1  }
0x1: {  	s4 =	rddreg [dreg:$0x0]  }
0x2: {  	s11 =	rddreg [dreg:$0x1]  }
0x3: {  	s2 =	rddreg [dreg:$0x2]  }
0x4: {  	s0 =	rddreg [dreg:$0x3]  }
0x5: {  	s1 =	stileid.u32;
	s5 =	srdreg.scid;
	s3 =	simm.s32 $0x0  }
0x6: {  	s19 =	simm.s32 $0x17C00;
	s20 =	simm.s32 $0x1;
	s21 =	simm.s32 $0x80  }
0x7: {  	s22 =	simm.s32 $0x4;
	s6 =	smul.u32 $0x13C00, s1;
	s12 =	sand.u32 $0x1, s5  }
0x8: {  	[smem:$0x7FF] =	sst s3;
	s13 =	sadd.s32 $0x7DF200, s4;
	s8 =	smul.u32 $0x4F000, s1  }
0x9: {  	s28 =	sshll.u32 s1, $0x6;
	s17 =	sshll.u32 s1, $0xB;
	s18 =	sshll.u32 s1, $0x4  }
0xa: {  	s5 =	smul.u32 $0x13C000, s12;
	_ =	strace $0x8000004D;
	s23 =	ssub.s32 $0x2, s12  }
0xb: {  	s25 =	sshll.u32 s12, $0x4;
	s16 =	sshll.u32 s12, $0xF;
	s12 =	sshll.u32 s12, $0x8  }
0xc: {  	s7 =	sshrl.u32 s6, $0x3;
	s24 =	sshrl.u32 s23, $0x1;
	s14 =	sor.u32 s1, s25  }
0xd: {  	s26 =	sshrl.u32 s8, $0x2;
	s16 =	sadd.s32 s16, s13;
	s12 =	sadd.s32 s12, s11  }
0xe: {  	s7 =	sadd.s32 s7, s4;
	s5 =	sadd.s32 s6, s5;
	s10 =	ssub.s32 s23, s24  }
0xf: {  	s15 =	sadd.s32 s26, s2;
	s29 =	sshll.u32 s14, $0x4;
	s30 =	sshll.u32 s14, $0xB  }
0x10: {  	s24 =	sor.u32 $0x4E0, s14;
	s16 =	sadd.s32 s17, s16;
	s12 =	sadd.s32 s18, s12  }
0x11: {  	s17 =	simm.s32 $0x13C00;
	s18 =	simm.s32 $0x1BC80;
	s23 =	simm.s32 $0x2  }
0x12: {  	s5 =	sshrl.u32 s5, $0x3;
	s6 =	sadd.s32 s11, s29;
	s31 =	sshll.u32 s24, $0x4  }
0x13: {  	s14 =	sshll.u32 s24, $0xB;
	p0 =	sgt.u32 s24, $0x4E1;
	s24 =	simm.s32 $0x0  }
0x14: {  	s9 =	sadd.s32 s5, s4;
	s4 =	sadd.s32 $0x768A00, s7;
	s5 =	sor.u32 $0x1C03, s28  }
0x15: {  	s7 =	sadd.s32 s13, s30;
	s8 =	sadd.s32 $0x1E00, s9;
	s9 =	smax.u32 s10, $0x1  }
0x16: {  	s10 =	sadd.s32 s11, s31;
	s11 =	sadd.s32 s13, s14;
	s13 =	sadd.s32 $0x10000, s16  }
0x17: {  	s14 =	sshrl.u32 s15, $0x3;
	s15 =	simm.s32 $0x3;
	s16 =	simm.s32 $0x1BC00  }
.LBB2_1:
0x18: {  	[spmem:s14], [sflag:s5] =	dma.local [hbm:s4], $0x2780  }
0x19: {  	_ =	swait.ge [sflag:s15], $0x2780  }
0x1a: {  	[sflag:s15] =	ssyncset.done $0x0  }
0x1b: {  	[sflag:s15] =	ssyncadd.s32 $0xFFFFD880  }
0x1c: {  	[bflag:$0x0] =	sbarrier.arrive $0xFFFF  }
0x1d: {  	[tilespmem:s16], [sflag:$0x1] =	stream.linear.gather [hbm4b:s6+s3], $0x80, $0x38;
	[tilespmem:$0x1BD00] =	vst v63  }
0x1e: {  	s25 =	sadd.s32 $0x0, s12  }
0x1f: {  	[tilespmem:s17], [sflag:$0x1] =	stream.linear.gather [hbm4b:s7+s3], $0x4000, $0x38;
	[tilespmem:$0x1BD00] =	vst v63  }
0x20: {  	s26 =	sadd.s32 $0x200, s25  }
0x21: {  	[tilespmem:s18], [sflag:$0x2] =	stream.linear.gather [hbm4b:s26+s3], $0x80, $0x38;
	[tilespmem:$0x1BD00] =	vst v63  }
0x22: {  	_ = 	snop  }
0x23: {  	[tilespmem:s19], [sflag:$0x2] =	stream.linear.gather [hbm4b:s13+s3], $0x4000, $0x38;
	[tilespmem:$0x1BD00] =	vst v63  }
0x24: {  	_ =	swait.ge [sflag:s20], $0x80  }
0x25: {  	[sflag:s20] =	ssyncset.done $0x0  }
0x26: {  	[sflag:s20] =	ssyncadd.s32 $0xFFFFFF80  }
0x27: {  	_ =	swait.ge [sflag:s20], $0x4000  }
0x28: {  	[sflag:s20] =	ssyncset.done $0x0  }
0x29: {  	[sflag:s20] =	ssyncadd.s32 $0xFFFFC000  }
0x2a: {  	[spmem:s2] =	stream.indirect.scatter.add.f32 [tilespmem:s17], [sflag:$0x4], $0x80, s16, s21, $0xb8;
	[tilespmem:$0x1BD00] =	vst v63  }
0x2b: {  	_ =	swait.ge [sflag:s22], $0x4000  }
0x2c: {  	[sflag:s22] =	ssyncset.done $0x0  }
0x2d: {  	s25 =	sadd.s32 $0x400, s25;
	[sflag:s22] =	ssyncadd.s32 $0xFFFFC000  }
0x2e: {  	[tilespmem:s16], [sflag:$0x1] =	stream.linear.gather [hbm4b:s25+s3], $0x80, $0x38;
	[tilespmem:$0x1BD00] =	vst v63  }
0x2f: {  	s31 =	sadd.s32 $0x10000, s13  }
0x30: {  	[tilespmem:s17], [sflag:$0x1] =	stream.linear.gather [hbm4b:s31+s3], $0x4000, $0x38;
	[tilespmem:$0x1BD00] =	vst v63  }
0x31: {  	_ =	swait.ge [sflag:s23], $0x80  }
0x32: {  	[sflag:s23] =	ssyncset.done $0x0  }
0x33: {  	[sflag:s23] =	ssyncadd.s32 $0xFFFFFF80  }
0x34: {  	_ =	swait.ge [sflag:s23], $0x4000  }
0x35: {  	[sflag:s23] =	ssyncset.done $0x0  }
0x36: {  	[sflag:s23] =	ssyncadd.s32 $0xFFFFC000  }
0x37: {  	[spmem:s2] =	stream.indirect.scatter.add.f32 [tilespmem:s19], [sflag:$0x3], $0x80, s18, s21, $0xb8;
	[tilespmem:$0x1BD00] =	vst v63  }
0x38: {  	s28 =	simm.s32 $0x800;
	_ =	swait.ge [sflag:s15], $0x4000  }
0x39: {  	s26 =	sadd.s32 $0x400, s12;
	s25 =	sadd.s32 $0x20000, s13;
	[sflag:s15] =	ssyncset.done $0x0  }
.LBB2_2:
0x3a: {  	s29 =	sadd.s32 $0x200, s26  }
0x3b: {  	[sflag:s15] =	ssyncadd.s32 $0xFFFFC000;
	s30 =	smov.u32 s28;
	s31 =	sadd.s32 $0x400, s28  }
0x3c: {  	[tilespmem:s18], [sflag:$0x2] =	stream.linear.gather [hbm4b:s29+s3], $0x80, $0x38;
	[tilespmem:$0x1BD00] =	vst v63  }
0x3d: {  	p1 =	sne.s32 s28, $0x4800  }
0x3e: {  	[tilespmem:s19], [sflag:$0x2] =	stream.linear.gather [hbm4b:s25+s3], $0x4000, $0x38;
	[tilespmem:$0x1BD00] =	vst v63  }
0x3f: {  	_ =	swait.ge [sflag:s20], $0x80  }
0x40: {  	[sflag:s20] =	ssyncset.done $0x0  }
0x41: {  	[sflag:s20] =	ssyncadd.s32 $0xFFFFFF80  }
0x42: {  	_ =	swait.ge [sflag:s20], $0x4000  }
0x43: {  	[sflag:s20] =	ssyncset.done $0x0  }
0x44: {  	[sflag:s20] =	ssyncadd.s32 $0xFFFFC000  }
0x45: {  	[spmem:s2] =	stream.indirect.scatter.add.f32 [tilespmem:s17], [sflag:$0x4], $0x80, s16, s21, $0xb8;
	[tilespmem:$0x1BD00] =	vst v63  }
0x46: {  	_ =	swait.ge [sflag:s22], $0x4000  }
0x47: {  	[sflag:s22] =	ssyncset.done $0x0  }
0x48: {  	s26 =	sadd.s32 $0x400, s26;
	[sflag:s22] =	ssyncadd.s32 $0xFFFFC000  }
0x49: {  	[tilespmem:s16], [sflag:$0x1] =	stream.linear.gather [hbm4b:s26+s3], $0x80, $0x38;
	[tilespmem:$0x1BD00] =	vst v63  }
0x4a: {  	s26 =	sadd.s32 $0x10000, s25  }
0x4b: {  	[tilespmem:s17], [sflag:$0x1] =	stream.linear.gather [hbm4b:s26+s3], $0x4000, $0x38;
	[tilespmem:$0x1BD00] =	vst v63  }
0x4c: {  	_ =	swait.ge [sflag:s23], $0x80  }
0x4d: {  	[sflag:s23] =	ssyncset.done $0x0  }
0x4e: {  	[sflag:s23] =	ssyncadd.s32 $0xFFFFFF80  }
0x4f: {  	_ =	swait.ge [sflag:s23], $0x4000  }
.Ltmp0:
0x50: {  	[sflag:s23] =	ssyncset.done $0x0;
	(pc) =	sbr.rel @p1 .LBB2_2-.Ltmp0, $4  }
0x51: {  	[sflag:s23] =	ssyncadd.s32 $0xFFFFC000  }
0x52: {  	[spmem:s2] =	stream.indirect.scatter.add.f32 [tilespmem:s19], [sflag:$0x3], $0x80, s18, s21, $0xb8;
	[tilespmem:$0x1BD00] =	vst v63  }
0x53: {  	s28 =	smov.u32 s31;
	_ =	swait.ge [sflag:s15], $0x4000  }
0x54: {  	s25 =	sadd.s32 $0x20000, s25;
	s26 =	sadd.s32 s30, s12;
	[sflag:s15] =	ssyncset.done $0x0  }
0x55: {  	s28 =	sadd.s32 $0x200, s26;
	[sflag:s15] =	ssyncadd.s32 $0xFFFFC000  }
0x56: {  	[tilespmem:s18], [sflag:$0x2] =	stream.linear.gather [hbm4b:s28+s3], $0x80, $0x38;
	[tilespmem:$0x1BD00] =	vst v63  }
0x57: {  	_ = 	snop  }
0x58: {  	[tilespmem:s19], [sflag:$0x2] =	stream.linear.gather [hbm4b:s25+s3], $0x4000, $0x38;
	[tilespmem:$0x1BD00] =	vst v63  }
0x59: {  	_ =	swait.ge [sflag:s20], $0x80  }
0x5a: {  	[sflag:s20] =	ssyncset.done $0x0  }
0x5b: {  	[sflag:s20] =	ssyncadd.s32 $0xFFFFFF80  }
0x5c: {  	_ =	swait.ge [sflag:s20], $0x4000  }
0x5d: {  	[sflag:s20] =	ssyncset.done $0x0  }
0x5e: {  	[sflag:s20] =	ssyncadd.s32 $0xFFFFC000  }
0x5f: {  	[spmem:s2] =	stream.indirect.scatter.add.f32 [tilespmem:s17], [sflag:$0x4], $0x80, s16, s21, $0xb8;
	[tilespmem:$0x1BD00] =	vst v63  }
0x60: {  	_ =	swait.ge [sflag:s22], $0x4000  }
0x61: {  	[sflag:s22] =	ssyncset.done $0x0  }
0x62: {  	s30 =	sadd.s32 $0x400, s26;
	[sflag:s22] =	ssyncadd.s32 $0xFFFFC000  }
0x63: {  	[tilespmem:s16], [sflag:$0x1] =	stream.linear.gather [hbm4b:s30+s3], $0x80, $0x38;
	[tilespmem:$0x1BD00] =	vst v63  }
0x64: {  	s31 =	sadd.s32 $0x10000, s25  }
0x65: {  	[tilespmem:s17], [sflag:$0x1] =	stream.linear.gather [hbm4b:s31+s3], $0x4000, $0x38;
	[tilespmem:$0x1BD00] =	vst v63  }
0x66: {  	_ =	swait.ge [sflag:s23], $0x80  }
0x67: {  	[sflag:s23] =	ssyncset.done $0x0  }
0x68: {  	[sflag:s23] =	ssyncadd.s32 $0xFFFFFF80  }
0x69: {  	_ =	swait.ge [sflag:s23], $0x4000  }
0x6a: {  	[sflag:s23] =	ssyncset.done $0x0  }
0x6b: {  	[sflag:s23] =	ssyncadd.s32 $0xFFFFC000  }
0x6c: {  	[spmem:s2] =	stream.indirect.scatter.add.f32 [tilespmem:s19], [sflag:$0x3], $0x80, s18, s21, $0xb8;
	[tilespmem:$0x1BD00] =	vst v63  }
0x6d: {  	_ =	swait.ge [sflag:s15], $0x4000  }
0x6e: {  	[sflag:s15] =	ssyncset.done $0x0  }
0x6f: {  	s26 =	simm.s32 @!p0 $0x1BC80;
	s25 =	simm.s32 @!p0 $0x0;
	[sflag:s15] =	ssyncadd.s32 $0xFFFFC000  }
0x70: {  	[tilespmem:s26], [sflag:$0x2] =	stream.linear.gather @!p0 [hbm4b:s10+s25], $0x80, $0x38;
	[tilespmem:$0x1BD00] =	vst v63  }
0x71: {  	s28 =	simm.s32 @!p0 $0x17C00  }
0x72: {  	[tilespmem:s28], [sflag:$0x2] =	stream.linear.gather @!p0 [hbm4b:s11+s25], $0x4000, $0x38;
	[tilespmem:$0x1BD00] =	vst v63  }
0x73: {  	_ =	swait.ge [sflag:s20], $0x80  }
0x74: {  	[sflag:s20] =	ssyncset.done $0x0  }
0x75: {  	[sflag:s20] =	ssyncadd.s32 $0xFFFFFF80  }
0x76: {  	_ =	swait.ge [sflag:s20], $0x4000  }
0x77: {  	[sflag:s20] =	ssyncset.done $0x0  }
0x78: {  	[sflag:s20] =	ssyncadd.s32 $0xFFFFC000  }
0x79: {  	[spmem:s2] =	stream.indirect.scatter.add.f32 [tilespmem:s17], [sflag:$0x4], $0x80, s16, s21, $0xb8;
	[tilespmem:$0x1BD00] =	vst v63  }
0x7a: {  	_ =	swait.ge [sflag:s22], $0x4000  }
0x7b: {  	[sflag:s22] =	ssyncset.done $0x0  }
0x7c: {  	s25 =	simm.s32 @!p0 $0x2;
	[sflag:s22] =	ssyncadd.s32 $0xFFFFC000  }
0x7d: {  	_ =	swait.ge @!p0 [sflag:s25], $0x80  }
0x7e: {  	[sflag:s25] =	ssyncset.done @!p0 $0x0  }
0x7f: {  	[sflag:s25] =	ssyncadd.s32 @!p0 $0xFFFFFF80  }
0x80: {  	_ =	swait.ge @!p0 [sflag:s25], $0x4000  }
0x81: {  	[sflag:s25] =	ssyncset.done @!p0 $0x0  }
0x82: {  	[sflag:s25] =	ssyncadd.s32 @!p0 $0xFFFFC000;
	s25 =	simm.s32 @!p0 $0x80  }
0x83: {  	[spmem:s2] =	stream.indirect.scatter.add.f32 @!p0 [tilespmem:s28], [sflag:$0x3], $0x80, s26, s25, $0xb8;
	[tilespmem:$0x1BD00] =	vst v63  }
0x84: {  	s25 =	simm.s32 @!p0 $0x3  }
0x85: {  	_ =	swait.ge @!p0 [sflag:s25], $0x4000  }
0x86: {  	s24 =	sadd.s32 $0x1, s24;
	[sflag:s25] =	ssyncset.done @!p0 $0x0  }
0x87: {  	p1 =	sne.s32 s24, s9;
	[sflag:s25] =	ssyncadd.s32 @!p0 $0xFFFFC000  }
.Ltmp1:
0x88: {  	[bflag:$0x0] =	sbarrier.arrive $0xFFFF;
	(pc) =	sbr.rel @p1 .LBB2_1-.Ltmp1, $4  }
0x89: {  	[hbm:s8], [sflag:s5] =	dma.local [spmem:s14], $0x2780  }
0x8a: {  	_ =	swait.ge [sflag:s15], $0x2780  }
0x8b: {  	[sflag:s15] =	ssyncset.done $0x0  }
0x8c: {  	[sflag:s15] =	ssyncadd.s32 $0xFFFFD880  }
0x8d: {  	_ =	sfence.sel $0x180000  }
0x8e: {  	[bflag:$0x0] =	sbarrier.arrive $0xFFFF  }
0x8f: {  	p0 =	sne.s32 s1, $0x0;
	_ =	strace $0x9000004D  }
0x90: {  	s0 =	sadd.s32 @!p0 $0x100000, s0;
	[bflag:$0x2] =	sbarrier.arrive $0xFFFF  }
0x91: {  	[sflag:s0] =	ssyncadd.tile.s32 @!p0 $0x1;
	_ =	shalt  }
.Lfunc_end2:
_tile_overlayer_lowered:
.L_overlay_start_2:
0x92: {  	(tag) =	ssettag $0x2  }
0x93: {  	s0 =	rddreg [dreg:$0x0];
	s2 =	stileid.u32  }
0x94: {  	s1 =	rddreg [dreg:$0x1];
	p0 =	sne.s32 s2, $0x0  }
0x95: {  	s3 =	rddreg [dreg:$0x2];
	[bflag:$0x3] =	sbarrier.arrive $0xFFFF;
	s2 =	simm.s32 @!p0 $0x1C03  }
0x96: {  	[timem:s3], [sflag:s2] =	dma.local @!p0 [hbm:s0], s1  }
0x97: {  	s0 =	simm.s32 @!p0 $0x3  }
0x98: {  	_ =	swait.ge @!p0 [sflag:s0], s1  }
0x99: {  	s1 =	ssub.s32 @!p0 $0x0, s1;
	[sflag:s0] =	ssyncset.done @!p0 $0x0  }
0x9a: {  	[sflag:s0] =	ssyncadd.s32 @!p0 s1  }
0x9b: {  	[bflag:$0x3] =	sbarrier.arrive $0xFFFF  }
0x9c: {  	_ =	shalt  }

// kernel: kernel.15.cloned.1.call-start
scs
__scs_entry_jumppad:
0x0: {  	(pc) =	sbr.rel $0x88, $3  }
0x1: {  	(tag) =	ssettag $0x0;
	lr =	simm.s32 $0x1  }
0x2: {  	[smem:$0x3F97] =	sst lr;
	_ =	strace $0xD0000000  }
0x3: {  	_ = 	snop  }
0x4: {  	_ = 	snop  }
0x5: {  	_ = 	snop  }
0x6: {  	_ = 	snop  }
0x7: {  	_ = 	snop  }
__scs_overlays_trampoline_lowered:
0x8: {  	[smem:$0x3FA6] =	sst s0  }
0x9: {  	[smem:$0x3FA7] =	sst s1  }
0xa: {  	[smem:$0x3FA8] =	sst s2  }
0xb: {  	[smem:$0x3FA9] =	sst s3  }
0xc: {  	[smem:$0x3FAA] =	sst s4  }
0xd: {  	[smem:$0x3FAB] =	sst s5  }
0xe: {  	[smem:$0x3FAC] =	sst s6  }
0xf: {  	[smem:$0x3FAD] =	sst s7  }
0x10: {  	[smem:$0x3FAE] =	sst s8  }
0x11: {  	[smem:$0x3FAF] =	sst s9;
	s0 =	simm.s32 @!p0 $0x0  }
0x12: {  	s1 =	sld [smem:$0x3F95];
	s0 =	simm.s32 @p0 $0x1  }
0x13: {  	[smem:$0x3FB0] =	sst s0;
	s0 =	simm.s32 @!p1 $0x0  }
0x14: {  	s2 =	sld [smem:$0x3F94];
	s0 =	simm.s32 @p1 $0x1  }
0x15: {  	[smem:$0x3FB1] =	sst s0;
	s0 =	simm.s32 @!p2 $0x0  }
0x16: {  	s3 =	sld [smem:$0x3FDB];
	s0 =	simm.s32 @p2 $0x1  }
0x17: {  	s4 =	simm.s32 $0x1BF5;
	[smem:$0x3FB3] =	sst s0  }
0x18: {  	s0 =	sld [smem:$0x3F96];
	_ =	swait.ge [sflag:s4], $0x0  }
0x19: {  	s7 =	sld [smem:$0x3F97]  }
0x1a: {  	s8 =	sadd.s32 $0xFFFFE003, lr  }
0x1b: {  	s9 =	sadd.s32 $0xFFFFFEF7, lr;
	s5 =	simm.s32 $0xFFFFFFFF;
	p2 =	slt.u32 s8, $0xFFFFF086  }
0x1c: {  	p1 =	slt.u32 s9, $0xF7A;
	s5 =	simm.s32 @!p2 $0x0  }
0x1d: {  	s5 =	simm.s32 @p1 $0x1;
	p0 =	seq.s32 s7, s2  }
0x1e: {  	s7 =	smul.u32 @!p0 $0xF7A, s2;
	p2 =	seq.s32 @!p0 s5, $0x0  }
0x1f: {  	s9 =	smul.u32 $0xF7A, s1;
	s8 =	simm.s32 @!p0 $0x1BF5;
	p2 =	por !p2, p0  }
0x20: {  	[sflag:s8] =	ssyncset.s32 @!p0 $0xFFFFF086;
	s6 =	sadd.s32 @!p0 s3, s7;
	s7 =	simm.s32 @!p0 $0x108  }
0x21: {  	s3 =	sadd.s32 s3, s9;
	s6 =	sadd.s32 @!p0 $0x88, s6;
	s7 =	simm.s32 @p2 $0x1082  }
0x22: {  	[simem:s7], [sflag:s8] =	dma.local @!p0 [hbm:s6], $0xF7A  }
0x23: {  	s9 =	sor.u32 $0xD0000000, s2;
	s6 =	simm.s32 $0x108;
	_ =	swait.ge @!p0 [sflag:s8], $0x0  }
0x24: {  	s3 =	sadd.s32 $0x88, s3;
	s6 =	simm.s32 @!p1 $0x1082;
	[sflag:s4] =	ssyncset.s32 $0xFFFFF086  }
0x25: {  	[simem:s6], [sflag:s4] =	dma.local [hbm:s3], $0xF7A  }
0x26: {  	[smem:$0x3F97] =	sst s1;
	(tag) =	ssettag s2;
	_ =	strace s9  }
0x27: {  	s1 =	sld [smem:$0x3FA7]  }
0x28: {  	s2 =	sld [smem:$0x3FA8]  }
0x29: {  	s4 =	sld [smem:$0x3FAA]  }
0x2a: {  	p0 =	seq.s32 s5, $0x0;
	s5 =	sld [smem:$0x3FAB]  }
0x2b: {  	s6 =	sld [smem:$0x3FAC]  }
0x2c: {  	s7 =	sld [smem:$0x3FAD]  }
0x2d: {  	s3 =	simm.s32 $0x108;
	s8 =	sld [smem:$0x3FAE]  }
0x2e: {  	s3 =	simm.s32 @!p0 $0x1082;
	s9 =	sld [smem:$0x3FAF]  }
0x2f: {  	lr =	sadd.s32 s0, s3;
	s0 =	sld [smem:$0x3FA6]  }
0x30: {  	s3 =	sld [smem:$0x3FA9]  }
0x31: {  	[smem:$0x3FB2] =	sst s10  }
0x32: {  	s10 =	sld [smem:$0x3FB0];
	_ =	sdelay $0x3  }
0x33: {  	p0 =	seq.s32 s10, $0x1;
	s10 =	sld [smem:$0x3FB2];
	_ =	sdelay $0x3  }
0x34: {  	[smem:$0x3FB2] =	sst s10  }
0x35: {  	s10 =	sld [smem:$0x3FB1];
	_ =	sdelay $0x3  }
0x36: {  	p1 =	seq.s32 s10, $0x1;
	s10 =	sld [smem:$0x3FB2];
	_ =	sdelay $0x3  }
0x37: {  	[smem:$0x3FB2] =	sst s10  }
0x38: {  	s10 =	sld [smem:$0x3FB3]  }
0x39: {  	_ = 	snop;
	(pc) =	sbr.ind lr, $3  }
0x3a: {  	_ = 	snop  }
0x3b: {  	_ = 	snop  }
0x3c: {  	p2 =	seq.s32 s10, $0x1;
	s10 =	sld [smem:$0x3FB2]  }
0x3d: {  	_ =	shalt  }
0x3e: {  	_ =	shalt  }
0x3f: {  	_ =	shalt  }
0x40: {  	_ =	shalt  }
0x41: {  	_ =	shalt  }
0x42: {  	_ =	shalt  }
0x43: {  	_ =	shalt  }
0x44: {  	_ =	shalt  }
0x45: {  	_ =	shalt  }
0x46: {  	_ =	shalt  }
0x47: {  	_ =	shalt  }
0x48: {  	_ =	shalt  }
0x49: {  	_ =	shalt  }
0x4a: {  	_ =	shalt  }
0x4b: {  	_ =	shalt  }
0x4c: {  	_ =	shalt  }
0x4d: {  	_ =	shalt  }
0x4e: {  	_ =	shalt  }
0x4f: {  	_ =	shalt  }
0x50: {  	_ =	shalt  }
0x51: {  	_ =	shalt  }
0x52: {  	_ =	shalt  }
0x53: {  	_ =	shalt  }
0x54: {  	_ =	shalt  }
0x55: {  	_ =	shalt  }
0x56: {  	_ =	shalt  }
0x57: {  	_ =	shalt  }
0x58: {  	_ =	shalt  }
0x59: {  	_ =	shalt  }
0x5a: {  	_ =	shalt  }
0x5b: {  	_ =	shalt  }
0x5c: {  	_ =	shalt  }
0x5d: {  	_ =	shalt  }
0x5e: {  	_ =	shalt  }
0x5f: {  	_ =	shalt  }
0x60: {  	_ =	shalt  }
0x61: {  	_ =	shalt  }
0x62: {  	_ =	shalt  }
0x63: {  	_ =	shalt  }
0x64: {  	_ =	shalt  }
0x65: {  	_ =	shalt  }
0x66: {  	_ =	shalt  }
0x67: {  	_ =	shalt  }
0x68: {  	_ =	shalt  }
0x69: {  	_ =	shalt  }
0x6a: {  	_ =	shalt  }
0x6b: {  	_ =	shalt  }
0x6c: {  	_ =	shalt  }
0x6d: {  	_ =	shalt  }
0x6e: {  	_ =	shalt  }
0x6f: {  	_ =	shalt  }
0x70: {  	_ =	shalt  }
0x71: {  	_ =	shalt  }
0x72: {  	_ =	shalt  }
0x73: {  	_ =	shalt  }
0x74: {  	_ =	shalt  }
0x75: {  	_ =	shalt  }
0x76: {  	_ =	shalt  }
0x77: {  	_ =	shalt  }
0x78: {  	_ =	shalt  }
0x79: {  	_ =	shalt  }
0x7a: {  	_ =	shalt  }
0x7b: {  	_ =	shalt  }
0x7c: {  	_ =	shalt  }
0x7d: {  	_ =	shalt  }
0x7e: {  	_ =	shalt  }
0x7f: {  	_ =	shalt  }
0x80: {  	_ =	shalt  }
0x81: {  	_ =	shalt  }
0x82: {  	_ =	shalt  }
0x83: {  	_ =	shalt  }
0x84: {  	_ =	shalt  }
0x85: {  	_ =	shalt  }
0x86: {  	_ =	shalt  }
0x87: {  	_ =	shalt  }
.Lfunc_end0:
.L_simem_size_0:
called_computation.2_lowered:
.L_overlay_start_0:
0x88: {  	s2 =	sld [smem:$0x3FD9]  }
0x89: {  	s3 =	sld [smem:$0x3FFE];
	_ =	sdelay $0x1  }
0x8a: {  	s1 =	srdreg.scid  }
0x8b: {  	s0 =	sand.u32 $0x1, s1  }
0x8c: {  	s17 =	sshll.u32 s0, $0xA;
	s2 =	sadd.s32 s3, s2  }
0x8d: {  	s2 =	sadd.s32 s2, s17  }
0x8e: {  	[smem:$0x3FBE] =	sst s2  }
0x8f: {  	_ = 	snop  }
0x90: {  	s2 =	sld [smem:$0x3FD0];
	(tm) =	ssettm $0x1  }
0x91: {  	s18 =	sld [smem:$0x3FFB];
	_ =	sdelay $0x3  }
0x92: {  	_ =	strace s18  }
0x93: {  	s3 =	sld [smem:$0x3FFC];
	_ =	sdelay $0x3  }
0x94: {  	_ =	strace s3  }
0x95: {  	s3 =	sld [smem:$0x3FFD];
	_ =	sdelay $0x3  }
0x96: {  	_ =	strace s3  }
0x97: {  	_ =	strace $0x8FFFFFFF  }
0x98: {  	s19 =	sld [smem:$0x3FDB];
	_ =	sdelay $0x1  }
0x99: {  	s4 =	simm.s32 $_scs_section_size  }
0x9a: {  	s5 =	simm.s32 $_size__tile_overlayer_lowered;
	s6 =	simm.s32 $_tile_overlayer_lowered  }
0x9b: {  	s22 =	simm.s32 $0x1BFF;
	s21 =	sshll.u32 s6, $0x1;
	s3 =	sadd.s32 s4, s19  }
0x9c: {  	s7 =	simm.s32 $0x0;
	s20 =	sshll.u32 s5, $0x1;
	s5 =	sadd.s32 s21, s3  }
0x9d: {  	[timem:s7], [sflag:s22] =	dma.local [hbm:s5], s20  }
0x9e: {  	_ =	swait.ge [sflag:s22], s20  }
0x9f: {  	s4 =	ssub.s32 $0x0, s20;
	[sflag:s22] =	ssyncset.done $0x0  }
0xa0: {  	[sflag:s22] =	ssyncadd.s32 s4;
	_ =	sdelay $0x1  }
0xa1: {  	s23 =	simm.s32 $0x1B8B  }
0xa2: {  	_ =	swait.ge [sflag:s23], $0x1  }
0xa3: {  	[sflag:s23] =	ssyncset.done $0x0  }
0xa4: {  	s25 =	simm.s32 $0x1B8E;
	s24 =	sld [smem:$0x3FFE];
	[sflag:s23] =	ssyncadd.s32 $0xFFFFFFFF  }
0xa5: {  	s26 =	simm.s32 $execute0_lowered;
	[smem:$0x3FD2] =	sst s25  }
0xa6: {  	s5 =	sshll.u32 s26, $0x1;
	_ =	strace $0x80000049;
	[dreg:$0x1] =	wrdreg $0xFFFFFFFF  }
0xa7: {  	s28 =	simm.s32 $_size_execute0_lowered;
	s3 =	sadd.s32 s3, s5;
	[dreg:$0x0] =	wrdreg $0x0  }
0xa8: {  	s5 =	sshll.u32 s28, $0x1;
	[dreg:$0x2] =	wrdreg s3  }
0xa9: {  	[dreg:$0x3] =	wrdreg s5  }
0xaa: {  	[dreg:$0x4] =	wrdreg $0xC0  }
0xab: {  	_ =	task [dreg:s7], $0x5FFFF  }
0xac: {  	[dreg:$0x1] =	wrdreg $0xFFFFFFFF  }
0xad: {  	[dreg:$0x0] =	wrdreg $0x60  }
0xae: {  	[dreg:$0x2] =	wrdreg s24  }
0xaf: {  	[dreg:$0x3] =	wrdreg s2  }
0xb0: {  	[dreg:$0x4] =	wrdreg $0x0  }
0xb1: {  	[dreg:$0x5] =	wrdreg $0xA  }
0xb2: {  	_ =	task.clear_ibuf [dreg:s7], $0x6FFFF;
	_ =	strace $0x90000049  }
0xb3: {  	s29 =	simm.s32 $0xA;
	_ =	strace $0x8000004B  }
0xb4: {  	_ =	swait.ge [sflag:s29], $0x1  }
0xb5: {  	[sflag:s29] =	ssyncadd.s32 $0xFFFFFFFF  }
0xb6: {  	_ =	strace $0x9000004B  }
0xb7: {  	_ =	sfence  }
0xb8: {  	s30 =	sld [smem:$0x0];
	_ =	sdelay $0x2  }
0xb9: {  	s31 =	sshll.u32 s1, $0xD;
	s1 =	sshrl.u32 s1, $0x2  }
0xba: {  	s3 =	sand.u32 $0x4000, s31;
	s1 =	sadd.s32 s1, s30  }
0xbb: {  	s0 =	sor.u32 s3, s0;
	s1 =	sshll.u32 s1, $0x11  }
0xbc: {  	s0 =	sor.u32 s1, s0  }
0xbd: {  	s0 =	sadd.s32 $0x8F2B, s0  }
0xbe: {  	[sflag:s0] =	ssyncadd.remote.s32 $0x1  }
0xbf: {  	_ =	sfence.sel $0xFFFF  }
0xc0: {  	[dreg:$0x0] =	wrdreg $0xFFFFFFFF;
	(pc) =	sbr.abs _section_cstart, $3  }
0xc1: {  	[dreg:$0x1] =	wrdreg $0xFFFFFFFF  }
0xc2: {  	_ =	task.clear_ibuf [dreg:s7], $0x2FFFF;
	_ =	strace $0x9FFFFFFF  }
0xc3: {  	(tm) =	ssettm $0x7FFFFFFF  }
tec
execute0_lowered:
.L_overlay_start_1:
0x0: {  	(tag) =	ssettag $0x1  }
0x1: {  	s4 =	rddreg [dreg:$0x0]  }
0x2: {  	s11 =	rddreg [dreg:$0x1]  }
0x3: {  	s2 =	rddreg [dreg:$0x2]  }
0x4: {  	s0 =	rddreg [dreg:$0x3];
	s1 =	stileid.u32  }
0x5: {  	s5 =	srdreg.scid;
	s3 =	simm.s32 $0x0;
	s19 =	simm.s32 $0x17C00  }
0x6: {  	s20 =	simm.s32 $0x1;
	s6 =	smul.u32 $0x13C00, s1;
	s12 =	sand.u32 $0x1, s5  }
0x7: {  	[smem:$0x7FF] =	sst s3;
	s13 =	sadd.s32 $0x4F7A00, s4;
	s9 =	smul.u32 $0x4F000, s1  }
0x8: {  	s25 =	sshll.u32 s1, $0x6;
	s16 =	sadd.s32 $0x4E20, s11;
	s17 =	sshll.u32 s1, $0xB  }
0x9: {  	s18 =	sshll.u32 s1, $0x4;
	s5 =	smul.u32 $0x13C000, s12;
	_ =	strace $0x8000004A  }
0xa: {  	s21 =	ssub.s32 $0x2, s12;
	s22 =	sshll.u32 s12, $0x4;
	s31 =	sshll.u32 s12, $0xF  }
0xb: {  	s12 =	sshll.u32 s12, $0x8;
	s7 =	sshrl.u32 s6, $0x3;
	s8 =	sshrl.u32 s21, $0x1  }
0xc: {  	s23 =	sor.u32 s1, s22;
	s24 =	sshrl.u32 s9, $0x2;
	s12 =	sadd.s32 s12, s11  }
0xd: {  	s22 =	simm.s32 $0x4;
	s7 =	sadd.s32 s7, s4;
	s5 =	sadd.s32 s6, s5  }
0xe: {  	s14 =	ssub.s32 s21, s8;
	s15 =	sadd.s32 s24, s2;
	s26 =	sshll.u32 s23, $0x4  }
0xf: {  	s28 =	sshll.u32 s23, $0xB;
	s24 =	sor.u32 $0x4E0, s23;
	s12 =	sadd.s32 s18, s12  }
0x10: {  	s18 =	simm.s32 $0x1BC80;
	s21 =	simm.s32 $0x80;
	s23 =	simm.s32 $0x2  }
0x11: {  	s5 =	sshrl.u32 s5, $0x3;
	s6 =	sadd.s32 s26, s16;
	s9 =	smax.u32 s14, $0x1  }
0x12: {  	s29 =	sshll.u32 s24, $0x4;
	s30 =	sshll.u32 s24, $0xB;
	s14 =	sshrl.u32 s15, $0x3  }
0x13: {  	s15 =	simm.s32 $0x3;
	p0 =	sgt.u32 s24, $0x4E1;
	s24 =	simm.s32 $0x0  }
0x14: {  	s10 =	sadd.s32 s5, s4;
	s4 =	sadd.s32 $0x768A00, s7;
	s5 =	sor.u32 $0x1C03, s25  }
0x15: {  	s8 =	sadd.s32 $0x790200, s10;
	s10 =	sadd.s32 s29, s16;
	s16 =	sadd.s32 s31, s13  }
0x16: {  	s7 =	sadd.s32 s13, s28;
	s11 =	sadd.s32 s13, s30;
	s16 =	sadd.s32 s17, s16  }
0x17: {  	s17 =	simm.s32 $0x13C00;
	s13 =	sadd.s32 $0x10000, s16;
	s16 =	simm.s32 $0x1BC00  }
.LBB2_1:
0x18: {  	[spmem:s14], [sflag:s5] =	dma.local [hbm:s4], $0x2780  }
0x19: {  	_ =	swait.ge [sflag:s15], $0x2780  }
0x1a: {  	[sflag:s15] =	ssyncset.done $0x0  }
0x1b: {  	[sflag:s15] =	ssyncadd.s32 $0xFFFFD880  }
0x1c: {  	[bflag:$0x0] =	sbarrier.arrive $0xFFFF  }
0x1d: {  	[tilespmem:s16], [sflag:$0x1] =	stream.linear.gather [hbm4b:s6+s3], $0x80, $0x38;
	[tilespmem:$0x1BD00] =	vst v63  }
0x1e: {  	s25 =	sadd.s32 $0x0, s12  }
0x1f: {  	[tilespmem:s17], [sflag:$0x1] =	stream.linear.gather [hbm4b:s7+s3], $0x4000, $0x38;
	[tilespmem:$0x1BD00] =	vst v63  }
0x20: {  	s26 =	sadd.s32 $0x5020, s25  }
0x21: {  	[tilespmem:s18], [sflag:$0x2] =	stream.linear.gather [hbm4b:s26+s3], $0x80, $0x38;
	[tilespmem:$0x1BD00] =	vst v63  }
0x22: {  	_ = 	snop  }
0x23: {  	[tilespmem:s19], [sflag:$0x2] =	stream.linear.gather [hbm4b:s13+s3], $0x4000, $0x38;
	[tilespmem:$0x1BD00] =	vst v63  }
0x24: {  	_ =	swait.ge [sflag:s20], $0x80  }
0x25: {  	[sflag:s20] =	ssyncset.done $0x0  }
0x26: {  	[sflag:s20] =	ssyncadd.s32 $0xFFFFFF80  }
0x27: {  	_ =	swait.ge [sflag:s20], $0x4000  }
0x28: {  	[sflag:s20] =	ssyncset.done $0x0  }
0x29: {  	[sflag:s20] =	ssyncadd.s32 $0xFFFFC000  }
0x2a: {  	[spmem:s2] =	stream.indirect.scatter.add.f32 [tilespmem:s17], [sflag:$0x4], $0x80, s16, s21, $0xb8;
	[tilespmem:$0x1BD00] =	vst v63  }
0x2b: {  	_ =	swait.ge [sflag:s22], $0x4000  }
0x2c: {  	[sflag:s22] =	ssyncset.done $0x0  }
0x2d: {  	s25 =	sadd.s32 $0x5220, s25;
	[sflag:s22] =	ssyncadd.s32 $0xFFFFC000  }
0x2e: {  	[tilespmem:s16], [sflag:$0x1] =	stream.linear.gather [hbm4b:s25+s3], $0x80, $0x38;
	[tilespmem:$0x1BD00] =	vst v63  }
0x2f: {  	s31 =	sadd.s32 $0x10000, s13  }
0x30: {  	[tilespmem:s17], [sflag:$0x1] =	stream.linear.gather [hbm4b:s31+s3], $0x4000, $0x38;
	[tilespmem:$0x1BD00] =	vst v63  }
0x31: {  	_ =	swait.ge [sflag:s23], $0x80  }
0x32: {  	[sflag:s23] =	ssyncset.done $0x0  }
0x33: {  	[sflag:s23] =	ssyncadd.s32 $0xFFFFFF80  }
0x34: {  	_ =	swait.ge [sflag:s23], $0x4000  }
0x35: {  	[sflag:s23] =	ssyncset.done $0x0  }
0x36: {  	[sflag:s23] =	ssyncadd.s32 $0xFFFFC000  }
0x37: {  	[spmem:s2] =	stream.indirect.scatter.add.f32 [tilespmem:s19], [sflag:$0x3], $0x80, s18, s21, $0xb8;
	[tilespmem:$0x1BD00] =	vst v63  }
0x38: {  	s28 =	simm.s32 $0x800;
	_ =	swait.ge [sflag:s15], $0x4000  }
0x39: {  	s26 =	sadd.s32 $0x400, s12;
	s25 =	sadd.s32 $0x20000, s13;
	[sflag:s15] =	ssyncset.done $0x0  }
.LBB2_2:
0x3a: {  	s29 =	sadd.s32 $0x5020, s26  }
0x3b: {  	[sflag:s15] =	ssyncadd.s32 $0xFFFFC000;
	s30 =	smov.u32 s28;
	s31 =	sadd.s32 $0x400, s28  }
0x3c: {  	[tilespmem:s18], [sflag:$0x2] =	stream.linear.gather [hbm4b:s29+s3], $0x80, $0x38;
	[tilespmem:$0x1BD00] =	vst v63  }
0x3d: {  	p1 =	sne.s32 s28, $0x4800  }
0x3e: {  	[tilespmem:s19], [sflag:$0x2] =	stream.linear.gather [hbm4b:s25+s3], $0x4000, $0x38;
	[tilespmem:$0x1BD00] =	vst v63  }
0x3f: {  	_ =	swait.ge [sflag:s20], $0x80  }
0x40: {  	[sflag:s20] =	ssyncset.done $0x0  }
0x41: {  	[sflag:s20] =	ssyncadd.s32 $0xFFFFFF80  }
0x42: {  	_ =	swait.ge [sflag:s20], $0x4000  }
0x43: {  	[sflag:s20] =	ssyncset.done $0x0  }
0x44: {  	[sflag:s20] =	ssyncadd.s32 $0xFFFFC000  }
0x45: {  	[spmem:s2] =	stream.indirect.scatter.add.f32 [tilespmem:s17], [sflag:$0x4], $0x80, s16, s21, $0xb8;
	[tilespmem:$0x1BD00] =	vst v63  }
0x46: {  	_ =	swait.ge [sflag:s22], $0x4000  }
0x47: {  	[sflag:s22] =	ssyncset.done $0x0  }
0x48: {  	s26 =	sadd.s32 $0x5220, s26;
	[sflag:s22] =	ssyncadd.s32 $0xFFFFC000  }
0x49: {  	[tilespmem:s16], [sflag:$0x1] =	stream.linear.gather [hbm4b:s26+s3], $0x80, $0x38;
	[tilespmem:$0x1BD00] =	vst v63  }
0x4a: {  	s26 =	sadd.s32 $0x10000, s25  }
0x4b: {  	[tilespmem:s17], [sflag:$0x1] =	stream.linear.gather [hbm4b:s26+s3], $0x4000, $0x38;
	[tilespmem:$0x1BD00] =	vst v63  }
0x4c: {  	_ =	swait.ge [sflag:s23], $0x80  }
0x4d: {  	[sflag:s23] =	ssyncset.done $0x0  }
0x4e: {  	[sflag:s23] =	ssyncadd.s32 $0xFFFFFF80  }
0x4f: {  	_ =	swait.ge [sflag:s23], $0x4000  }
.Ltmp0:
0x50: {  	[sflag:s23] =	ssyncset.done $0x0;
	(pc) =	sbr.rel @p1 .LBB2_2-.Ltmp0, $4  }
0x51: {  	[sflag:s23] =	ssyncadd.s32 $0xFFFFC000  }
0x52: {  	[spmem:s2] =	stream.indirect.scatter.add.f32 [tilespmem:s19], [sflag:$0x3], $0x80, s18, s21, $0xb8;
	[tilespmem:$0x1BD00] =	vst v63  }
0x53: {  	s28 =	smov.u32 s31;
	_ =	swait.ge [sflag:s15], $0x4000  }
0x54: {  	s25 =	sadd.s32 $0x20000, s25;
	s26 =	sadd.s32 s30, s12;
	[sflag:s15] =	ssyncset.done $0x0  }
0x55: {  	s28 =	sadd.s32 $0x5020, s26;
	[sflag:s15] =	ssyncadd.s32 $0xFFFFC000  }
0x56: {  	[tilespmem:s18], [sflag:$0x2] =	stream.linear.gather [hbm4b:s28+s3], $0x80, $0x38;
	[tilespmem:$0x1BD00] =	vst v63  }
0x57: {  	_ = 	snop  }
0x58: {  	[tilespmem:s19], [sflag:$0x2] =	stream.linear.gather [hbm4b:s25+s3], $0x4000, $0x38;
	[tilespmem:$0x1BD00] =	vst v63  }
0x59: {  	_ =	swait.ge [sflag:s20], $0x80  }
0x5a: {  	[sflag:s20] =	ssyncset.done $0x0  }
0x5b: {  	[sflag:s20] =	ssyncadd.s32 $0xFFFFFF80  }
0x5c: {  	_ =	swait.ge [sflag:s20], $0x4000  }
0x5d: {  	[sflag:s20] =	ssyncset.done $0x0  }
0x5e: {  	[sflag:s20] =	ssyncadd.s32 $0xFFFFC000  }
0x5f: {  	[spmem:s2] =	stream.indirect.scatter.add.f32 [tilespmem:s17], [sflag:$0x4], $0x80, s16, s21, $0xb8;
	[tilespmem:$0x1BD00] =	vst v63  }
0x60: {  	_ =	swait.ge [sflag:s22], $0x4000  }
0x61: {  	[sflag:s22] =	ssyncset.done $0x0  }
0x62: {  	s30 =	sadd.s32 $0x5220, s26;
	[sflag:s22] =	ssyncadd.s32 $0xFFFFC000  }
0x63: {  	[tilespmem:s16], [sflag:$0x1] =	stream.linear.gather [hbm4b:s30+s3], $0x80, $0x38;
	[tilespmem:$0x1BD00] =	vst v63  }
0x64: {  	s31 =	sadd.s32 $0x10000, s25  }
0x65: {  	[tilespmem:s17], [sflag:$0x1] =	stream.linear.gather [hbm4b:s31+s3], $0x4000, $0x38;
	[tilespmem:$0x1BD00] =	vst v63  }
0x66: {  	_ =	swait.ge [sflag:s23], $0x80  }
0x67: {  	[sflag:s23] =	ssyncset.done $0x0  }
0x68: {  	[sflag:s23] =	ssyncadd.s32 $0xFFFFFF80  }
0x69: {  	_ =	swait.ge [sflag:s23], $0x4000  }
0x6a: {  	[sflag:s23] =	ssyncset.done $0x0  }
0x6b: {  	[sflag:s23] =	ssyncadd.s32 $0xFFFFC000  }
0x6c: {  	[spmem:s2] =	stream.indirect.scatter.add.f32 [tilespmem:s19], [sflag:$0x3], $0x80, s18, s21, $0xb8;
	[tilespmem:$0x1BD00] =	vst v63  }
0x6d: {  	_ =	swait.ge [sflag:s15], $0x4000  }
0x6e: {  	[sflag:s15] =	ssyncset.done $0x0  }
0x6f: {  	s26 =	simm.s32 @!p0 $0x1BC80;
	s25 =	simm.s32 @!p0 $0x0;
	[sflag:s15] =	ssyncadd.s32 $0xFFFFC000  }
0x70: {  	[tilespmem:s26], [sflag:$0x2] =	stream.linear.gather @!p0 [hbm4b:s10+s25], $0x80, $0x38;
	[tilespmem:$0x1BD00] =	vst v63  }
0x71: {  	s28 =	simm.s32 @!p0 $0x17C00  }
0x72: {  	[tilespmem:s28], [sflag:$0x2] =	stream.linear.gather @!p0 [hbm4b:s11+s25], $0x4000, $0x38;
	[tilespmem:$0x1BD00] =	vst v63  }
0x73: {  	_ =	swait.ge [sflag:s20], $0x80  }
0x74: {  	[sflag:s20] =	ssyncset.done $0x0  }
0x75: {  	[sflag:s20] =	ssyncadd.s32 $0xFFFFFF80  }
0x76: {  	_ =	swait.ge [sflag:s20], $0x4000  }
0x77: {  	[sflag:s20] =	ssyncset.done $0x0  }
0x78: {  	[sflag:s20] =	ssyncadd.s32 $0xFFFFC000  }
0x79: {  	[spmem:s2] =	stream.indirect.scatter.add.f32 [tilespmem:s17], [sflag:$0x4], $0x80, s16, s21, $0xb8;
	[tilespmem:$0x1BD00] =	vst v63  }
0x7a: {  	_ =	swait.ge [sflag:s22], $0x4000  }
0x7b: {  	[sflag:s22] =	ssyncset.done $0x0  }
0x7c: {  	s25 =	simm.s32 @!p0 $0x2;
	[sflag:s22] =	ssyncadd.s32 $0xFFFFC000  }
0x7d: {  	_ =	swait.ge @!p0 [sflag:s25], $0x80  }
0x7e: {  	[sflag:s25] =	ssyncset.done @!p0 $0x0  }
0x7f: {  	[sflag:s25] =	ssyncadd.s32 @!p0 $0xFFFFFF80  }
0x80: {  	_ =	swait.ge @!p0 [sflag:s25], $0x4000  }
0x81: {  	[sflag:s25] =	ssyncset.done @!p0 $0x0  }
0x82: {  	[sflag:s25] =	ssyncadd.s32 @!p0 $0xFFFFC000;
	s25 =	simm.s32 @!p0 $0x80  }
0x83: {  	[spmem:s2] =	stream.indirect.scatter.add.f32 @!p0 [tilespmem:s28], [sflag:$0x3], $0x80, s26, s25, $0xb8;
	[tilespmem:$0x1BD00] =	vst v63  }
0x84: {  	s25 =	simm.s32 @!p0 $0x3  }
0x85: {  	_ =	swait.ge @!p0 [sflag:s25], $0x4000  }
0x86: {  	s24 =	sadd.s32 $0x1, s24;
	[sflag:s25] =	ssyncset.done @!p0 $0x0  }
0x87: {  	p1 =	sne.s32 s24, s9;
	[sflag:s25] =	ssyncadd.s32 @!p0 $0xFFFFC000  }
.Ltmp1:
0x88: {  	[bflag:$0x0] =	sbarrier.arrive $0xFFFF;
	(pc) =	sbr.rel @p1 .LBB2_1-.Ltmp1, $4  }
0x89: {  	[hbm:s8], [sflag:s5] =	dma.local [spmem:s14], $0x2780  }
0x8a: {  	_ =	swait.ge [sflag:s15], $0x2780  }
0x8b: {  	[sflag:s15] =	ssyncset.done $0x0  }
0x8c: {  	[sflag:s15] =	ssyncadd.s32 $0xFFFFD880  }
0x8d: {  	_ =	sfence.sel $0x180000  }
0x8e: {  	[bflag:$0x0] =	sbarrier.arrive $0xFFFF  }
0x8f: {  	p0 =	sne.s32 s1, $0x0;
	_ =	strace $0x9000004A  }
0x90: {  	s0 =	sadd.s32 @!p0 $0x100000, s0;
	[bflag:$0x2] =	sbarrier.arrive $0xFFFF  }
0x91: {  	[sflag:s0] =	ssyncadd.tile.s32 @!p0 $0x1;
	_ =	shalt  }
.Lfunc_end2:
_tile_overlayer_lowered:
.L_overlay_start_2:
0x92: {  	(tag) =	ssettag $0x2  }
0x93: {  	s0 =	rddreg [dreg:$0x0];
	s2 =	stileid.u32  }
0x94: {  	s1 =	rddreg [dreg:$0x1];
	p0 =	sne.s32 s2, $0x0  }
0x95: {  	s3 =	rddreg [dreg:$0x2];
	[bflag:$0x3] =	sbarrier.arrive $0xFFFF;
	s2 =	simm.s32 @!p0 $0x1C03  }
0x96: {  	[timem:s3], [sflag:s2] =	dma.local @!p0 [hbm:s0], s1  }
0x97: {  	s0 =	simm.s32 @!p0 $0x3  }
0x98: {  	_ =	swait.ge @!p0 [sflag:s0], s1  }
0x99: {  	s1 =	ssub.s32 @!p0 $0x0, s1;
	[sflag:s0] =	ssyncset.done @!p0 $0x0  }
0x9a: {  	[sflag:s0] =	ssyncadd.s32 @!p0 s1  }
0x9b: {  	[bflag:$0x3] =	sbarrier.arrive $0xFFFF  }
0x9c: {  	_ =	shalt  }

// kernel: kernel.9.cloned.1.call-start
scs
__scs_entry_jumppad:
0x0: {  	(pc) =	sbr.rel $0x88, $3  }
0x1: {  	(tag) =	ssettag $0x0;
	lr =	simm.s32 $0x1  }
0x2: {  	[smem:$0x3F97] =	sst lr;
	_ =	strace $0xD0000000  }
0x3: {  	_ = 	snop  }
0x4: {  	_ = 	snop  }
0x5: {  	_ = 	snop  }
0x6: {  	_ = 	snop  }
0x7: {  	_ = 	snop  }
__scs_overlays_trampoline_lowered:
0x8: {  	[smem:$0x3FA6] =	sst s0  }
0x9: {  	[smem:$0x3FA7] =	sst s1  }
0xa: {  	[smem:$0x3FA8] =	sst s2  }
0xb: {  	[smem:$0x3FA9] =	sst s3  }
0xc: {  	[smem:$0x3FAA] =	sst s4  }
0xd: {  	[smem:$0x3FAB] =	sst s5  }
0xe: {  	[smem:$0x3FAC] =	sst s6  }
0xf: {  	[smem:$0x3FAD] =	sst s7  }
0x10: {  	[smem:$0x3FAE] =	sst s8  }
0x11: {  	[smem:$0x3FAF] =	sst s9;
	s0 =	simm.s32 @!p0 $0x0  }
0x12: {  	s1 =	sld [smem:$0x3F95];
	s0 =	simm.s32 @p0 $0x1  }
0x13: {  	[smem:$0x3FB0] =	sst s0;
	s0 =	simm.s32 @!p1 $0x0  }
0x14: {  	s2 =	sld [smem:$0x3F94];
	s0 =	simm.s32 @p1 $0x1  }
0x15: {  	[smem:$0x3FB1] =	sst s0;
	s0 =	simm.s32 @!p2 $0x0  }
0x16: {  	s3 =	sld [smem:$0x3FDB];
	s0 =	simm.s32 @p2 $0x1  }
0x17: {  	s4 =	simm.s32 $0x1BF5;
	[smem:$0x3FB3] =	sst s0  }
0x18: {  	s0 =	sld [smem:$0x3F96];
	_ =	swait.ge [sflag:s4], $0x0  }
0x19: {  	s7 =	sld [smem:$0x3F97]  }
0x1a: {  	s8 =	sadd.s32 $0xFFFFE003, lr  }
0x1b: {  	s9 =	sadd.s32 $0xFFFFFEF7, lr;
	s5 =	simm.s32 $0xFFFFFFFF;
	p2 =	slt.u32 s8, $0xFFFFF086  }
0x1c: {  	p1 =	slt.u32 s9, $0xF7A;
	s5 =	simm.s32 @!p2 $0x0  }
0x1d: {  	s5 =	simm.s32 @p1 $0x1;
	p0 =	seq.s32 s7, s2  }
0x1e: {  	s7 =	smul.u32 @!p0 $0xF7A, s2;
	p2 =	seq.s32 @!p0 s5, $0x0  }
0x1f: {  	s9 =	smul.u32 $0xF7A, s1;
	s8 =	simm.s32 @!p0 $0x1BF5;
	p2 =	por !p2, p0  }
0x20: {  	[sflag:s8] =	ssyncset.s32 @!p0 $0xFFFFF086;
	s6 =	sadd.s32 @!p0 s3, s7;
	s7 =	simm.s32 @!p0 $0x108  }
0x21: {  	s3 =	sadd.s32 s3, s9;
	s6 =	sadd.s32 @!p0 $0x88, s6;
	s7 =	simm.s32 @p2 $0x1082  }
0x22: {  	[simem:s7], [sflag:s8] =	dma.local @!p0 [hbm:s6], $0xF7A  }
0x23: {  	s9 =	sor.u32 $0xD0000000, s2;
	s6 =	simm.s32 $0x108;
	_ =	swait.ge @!p0 [sflag:s8], $0x0  }
0x24: {  	s3 =	sadd.s32 $0x88, s3;
	s6 =	simm.s32 @!p1 $0x1082;
	[sflag:s4] =	ssyncset.s32 $0xFFFFF086  }
0x25: {  	[simem:s6], [sflag:s4] =	dma.local [hbm:s3], $0xF7A  }
0x26: {  	[smem:$0x3F97] =	sst s1;
	(tag) =	ssettag s2;
	_ =	strace s9  }
0x27: {  	s1 =	sld [smem:$0x3FA7]  }
0x28: {  	s2 =	sld [smem:$0x3FA8]  }
0x29: {  	s4 =	sld [smem:$0x3FAA]  }
0x2a: {  	p0 =	seq.s32 s5, $0x0;
	s5 =	sld [smem:$0x3FAB]  }
0x2b: {  	s6 =	sld [smem:$0x3FAC]  }
0x2c: {  	s7 =	sld [smem:$0x3FAD]  }
0x2d: {  	s3 =	simm.s32 $0x108;
	s8 =	sld [smem:$0x3FAE]  }
0x2e: {  	s3 =	simm.s32 @!p0 $0x1082;
	s9 =	sld [smem:$0x3FAF]  }
0x2f: {  	lr =	sadd.s32 s0, s3;
	s0 =	sld [smem:$0x3FA6]  }
0x30: {  	s3 =	sld [smem:$0x3FA9]  }
0x31: {  	[smem:$0x3FB2] =	sst s10  }
0x32: {  	s10 =	sld [smem:$0x3FB0];
	_ =	sdelay $0x3  }
0x33: {  	p0 =	seq.s32 s10, $0x1;
	s10 =	sld [smem:$0x3FB2];
	_ =	sdelay $0x3  }
0x34: {  	[smem:$0x3FB2] =	sst s10  }
0x35: {  	s10 =	sld [smem:$0x3FB1];
	_ =	sdelay $0x3  }
0x36: {  	p1 =	seq.s32 s10, $0x1;
	s10 =	sld [smem:$0x3FB2];
	_ =	sdelay $0x3  }
0x37: {  	[smem:$0x3FB2] =	sst s10  }
0x38: {  	s10 =	sld [smem:$0x3FB3]  }
0x39: {  	_ = 	snop;
	(pc) =	sbr.ind lr, $3  }
0x3a: {  	_ = 	snop  }
0x3b: {  	_ = 	snop  }
0x3c: {  	p2 =	seq.s32 s10, $0x1;
	s10 =	sld [smem:$0x3FB2]  }
0x3d: {  	_ =	shalt  }
0x3e: {  	_ =	shalt  }
0x3f: {  	_ =	shalt  }
0x40: {  	_ =	shalt  }
0x41: {  	_ =	shalt  }
0x42: {  	_ =	shalt  }
0x43: {  	_ =	shalt  }
0x44: {  	_ =	shalt  }
0x45: {  	_ =	shalt  }
0x46: {  	_ =	shalt  }
0x47: {  	_ =	shalt  }
0x48: {  	_ =	shalt  }
0x49: {  	_ =	shalt  }
0x4a: {  	_ =	shalt  }
0x4b: {  	_ =	shalt  }
0x4c: {  	_ =	shalt  }
0x4d: {  	_ =	shalt  }
0x4e: {  	_ =	shalt  }
0x4f: {  	_ =	shalt  }
0x50: {  	_ =	shalt  }
0x51: {  	_ =	shalt  }
0x52: {  	_ =	shalt  }
0x53: {  	_ =	shalt  }
0x54: {  	_ =	shalt  }
0x55: {  	_ =	shalt  }
0x56: {  	_ =	shalt  }
0x57: {  	_ =	shalt  }
0x58: {  	_ =	shalt  }
0x59: {  	_ =	shalt  }
0x5a: {  	_ =	shalt  }
0x5b: {  	_ =	shalt  }
0x5c: {  	_ =	shalt  }
0x5d: {  	_ =	shalt  }
0x5e: {  	_ =	shalt  }
0x5f: {  	_ =	shalt  }
0x60: {  	_ =	shalt  }
0x61: {  	_ =	shalt  }
0x62: {  	_ =	shalt  }
0x63: {  	_ =	shalt  }
0x64: {  	_ =	shalt  }
0x65: {  	_ =	shalt  }
0x66: {  	_ =	shalt  }
0x67: {  	_ =	shalt  }
0x68: {  	_ =	shalt  }
0x69: {  	_ =	shalt  }
0x6a: {  	_ =	shalt  }
0x6b: {  	_ =	shalt  }
0x6c: {  	_ =	shalt  }
0x6d: {  	_ =	shalt  }
0x6e: {  	_ =	shalt  }
0x6f: {  	_ =	shalt  }
0x70: {  	_ =	shalt  }
0x71: {  	_ =	shalt  }
0x72: {  	_ =	shalt  }
0x73: {  	_ =	shalt  }
0x74: {  	_ =	shalt  }
0x75: {  	_ =	shalt  }
0x76: {  	_ =	shalt  }
0x77: {  	_ =	shalt  }
0x78: {  	_ =	shalt  }
0x79: {  	_ =	shalt  }
0x7a: {  	_ =	shalt  }
0x7b: {  	_ =	shalt  }
0x7c: {  	_ =	shalt  }
0x7d: {  	_ =	shalt  }
0x7e: {  	_ =	shalt  }
0x7f: {  	_ =	shalt  }
0x80: {  	_ =	shalt  }
0x81: {  	_ =	shalt  }
0x82: {  	_ =	shalt  }
0x83: {  	_ =	shalt  }
0x84: {  	_ =	shalt  }
0x85: {  	_ =	shalt  }
0x86: {  	_ =	shalt  }
0x87: {  	_ =	shalt  }
.Lfunc_end0:
.L_simem_size_0:
called_computation_lowered:
.L_overlay_start_0:
0x88: {  	s2 =	sld [smem:$0x3FD9]  }
0x89: {  	s3 =	sld [smem:$0x3FFE];
	_ =	sdelay $0x1  }
0x8a: {  	s1 =	srdreg.scid  }
0x8b: {  	s0 =	sand.u32 $0x1, s1  }
0x8c: {  	s17 =	sshll.u32 s0, $0xA;
	s2 =	sadd.s32 s3, s2  }
0x8d: {  	s2 =	sadd.s32 s2, s17  }
0x8e: {  	[smem:$0x3FBE] =	sst s2  }
0x8f: {  	_ = 	snop  }
0x90: {  	s2 =	sld [smem:$0x3FC9];
	(tm) =	ssettm $0x1  }
0x91: {  	s18 =	sld [smem:$0x3FFB];
	_ =	sdelay $0x3  }
0x92: {  	_ =	strace s18  }
0x93: {  	s3 =	sld [smem:$0x3FFC];
	_ =	sdelay $0x3  }
0x94: {  	_ =	strace s3  }
0x95: {  	s3 =	sld [smem:$0x3FFD];
	_ =	sdelay $0x3  }
0x96: {  	_ =	strace s3  }
0x97: {  	_ =	strace $0x8FFFFFFF  }
0x98: {  	s19 =	sld [smem:$0x3FDB];
	_ =	sdelay $0x1  }
0x99: {  	s4 =	simm.s32 $_scs_section_size  }
0x9a: {  	s5 =	simm.s32 $_size__tile_overlayer_lowered;
	s6 =	simm.s32 $_tile_overlayer_lowered  }
0x9b: {  	s22 =	simm.s32 $0x1BFF;
	s21 =	sshll.u32 s6, $0x1;
	s3 =	sadd.s32 s4, s19  }
0x9c: {  	s7 =	simm.s32 $0x0;
	s20 =	sshll.u32 s5, $0x1;
	s5 =	sadd.s32 s21, s3  }
0x9d: {  	[timem:s7], [sflag:s22] =	dma.local [hbm:s5], s20  }
0x9e: {  	_ =	swait.ge [sflag:s22], s20  }
0x9f: {  	s4 =	ssub.s32 $0x0, s20;
	[sflag:s22] =	ssyncset.done $0x0  }
0xa0: {  	[sflag:s22] =	ssyncadd.s32 s4;
	_ =	sdelay $0x1  }
0xa1: {  	s23 =	simm.s32 $0x1B8B  }
0xa2: {  	_ =	swait.ge [sflag:s23], $0x1  }
0xa3: {  	[sflag:s23] =	ssyncset.done $0x0  }
0xa4: {  	s25 =	simm.s32 $0x1B8E;
	s24 =	sld [smem:$0x3FFE];
	[sflag:s23] =	ssyncadd.s32 $0xFFFFFFFF  }
0xa5: {  	s26 =	simm.s32 $execute0_lowered;
	[smem:$0x3FD2] =	sst s25  }
0xa6: {  	s5 =	sshll.u32 s26, $0x1;
	_ =	strace $0x80000046;
	[dreg:$0x1] =	wrdreg $0xFFFFFFFF  }
0xa7: {  	s28 =	simm.s32 $_size_execute0_lowered;
	s3 =	sadd.s32 s3, s5;
	[dreg:$0x0] =	wrdreg $0x0  }
0xa8: {  	s5 =	sshll.u32 s28, $0x1;
	[dreg:$0x2] =	wrdreg s3  }
0xa9: {  	[dreg:$0x3] =	wrdreg s5  }
0xaa: {  	[dreg:$0x4] =	wrdreg $0xC0  }
0xab: {  	_ =	task [dreg:s7], $0x5FFFF  }
0xac: {  	[dreg:$0x1] =	wrdreg $0xFFFFFFFF  }
0xad: {  	[dreg:$0x0] =	wrdreg $0x60  }
0xae: {  	[dreg:$0x2] =	wrdreg s2  }
0xaf: {  	[dreg:$0x3] =	wrdreg s24  }
0xb0: {  	[dreg:$0x4] =	wrdreg $0x9  }
0xb1: {  	_ =	task.clear_ibuf [dreg:s7], $0x5FFFF;
	_ =	strace $0x90000046  }
0xb2: {  	s29 =	simm.s32 $0x9;
	_ =	strace $0x80000048  }
0xb3: {  	_ =	swait.ge [sflag:s29], $0x1  }
0xb4: {  	[sflag:s29] =	ssyncadd.s32 $0xFFFFFFFF  }
0xb5: {  	_ =	strace $0x90000048  }
0xb6: {  	_ =	sfence  }
0xb7: {  	s30 =	sld [smem:$0x0];
	_ =	sdelay $0x2  }
0xb8: {  	s31 =	sshll.u32 s1, $0xD;
	s1 =	sshrl.u32 s1, $0x2  }
0xb9: {  	s3 =	sand.u32 $0x4000, s31;
	s1 =	sadd.s32 s1, s30  }
0xba: {  	s0 =	sor.u32 s3, s0;
	s1 =	sshll.u32 s1, $0x11  }
0xbb: {  	s0 =	sor.u32 s1, s0  }
0xbc: {  	s0 =	sadd.s32 $0x8F2B, s0  }
0xbd: {  	[sflag:s0] =	ssyncadd.remote.s32 $0x1  }
0xbe: {  	_ =	sfence.sel $0xFFFF  }
0xbf: {  	[dreg:$0x0] =	wrdreg $0xFFFFFFFF;
	(pc) =	sbr.abs _section_cstart, $3  }
0xc0: {  	[dreg:$0x1] =	wrdreg $0xFFFFFFFF  }
0xc1: {  	_ =	task.clear_ibuf [dreg:s7], $0x2FFFF;
	_ =	strace $0x9FFFFFFF  }
0xc2: {  	(tm) =	ssettm $0x7FFFFFFF  }
0xc3: {  	_ =	shalt  }
tec
execute0_lowered:
.L_overlay_start_1:
0x0: {  	(tag) =	ssettag $0x1  }
0x1: {  	s0 =	srdreg.scid;
	s2 =	rddreg [dreg:$0x0]  }
0x2: {  	s5 =	rddreg [dreg:$0x1];
	s3 =	simm.s32 $0x0;
	s4 =	sand.u32 $0x1, s0  }
0x3: {  	s7 =	simm.s32 $0x1;
	s0 =	stileid.u32;
	s1 =	sshll.u32 s4, $0x4  }
0x4: {  	s8 =	simm.s32 $0x2780;
	s9 =	simm.s32 $0x4F00;
	s1 =	sor.u32 s0, s1  }
0x5: {  	[smem:$0x7FF] =	sst s3;
	s4 =	ssub.s32 $0x2, s4;
	s6 =	smul.u32 $0x4E2, s1  }
0x6: {  	s10 =	simm.s32 $0x0;
	s31 =	sshrl.u32 s4, $0x1;
	s1 =	rddreg [dreg:$0x2]  }
0x7: {  	_ =	strace $0x80000047;
	s5 =	sadd.s32 s6, s5;
	s6 =	ssub.s32 s4, s31  }
0x8: {  	s4 =	sadd.s32 $0x1E00, s5;
	s5 =	sadd.s32 $0xBC00, s5;
	s6 =	smax.u32 s6, $0x1  }
.LBB2_1:
0x9: {  	[tilespmem:s3], [sflag:$0x1] =	stream.linear.gather [hbm4b:s2+s3], $0x2780, $0x38;
	[tilespmem:$0x7680] =	vst v63  }
0xa: {  	_ =	swait.ge [sflag:s7], $0x2780  }
0xb: {  	[sflag:s7] =	ssyncset.done $0x0  }
0xc: {  	[sflag:s7] =	ssyncadd.s32 $0xFFFFD880  }
0xd: {  	[tilespmem:s8], [sflag:$0x1] =	stream.linear.gather [hbm4b:s4+s3], $0x2710, $0x38;
	[tilespmem:$0x7680] =	vst v63  }
0xe: {  	_ =	swait.ge [sflag:s7], $0x2710  }
0xf: {  	[sflag:s7] =	ssyncset.done $0x0  }
0x10: {  	s11 =	simm.s32 $0x0;
	[sflag:s7] =	ssyncadd.s32 $0xFFFFD8F0  }
0x11: {  	v0 =	vld [tilespmem:s11+$0x2780];
	_ =	sdelay $0x7  }
0x12: {  	s12 =	simm.s32 $0x10;
	s13 =	simm.s32 $0x80;
	v0 =	vld.idx.msk [tilespmem:v0+s3+$0x0], $0xffff  }
.LBB2_2:
0x13: {  	p0 =	sne.s32 s13, $0x9C00;
	v1 =	vld [tilespmem:s12+$0x2780];
	_ =	sdelay $0x3  }
.Ltmp0:
0x14: {  	(pc) =	sbr.rel @p0 .LBB2_2-.Ltmp0, $2  }
0x15: {  	[tilespmem:s11+$0x4F00] =	vst v0;
	s11 =	smov.u32 s12;
	_ =	sdelay $0x2  }
0x16: {  	s12 =	sshra.s32 s13, $0x2;
	s13 =	sadd.s32 $0x40, s13;
	v0 =	vld.idx.msk [tilespmem:v1+s3+$0x0], $0xffff  }
0x17: {  	v1 =	vld [tilespmem:s12+$0x2780];
	_ =	sdelay $0x6  }
0x18: {  	[tilespmem:s11+$0x4F00] =	vst v0  }
0x19: {  	v0 =	vld.idx.msk [tilespmem:v1+s3+$0x0], $0xffff;
	_ =	sdelay $0x2  }
0x1a: {  	s10 =	sadd.s32 $0x1, s10  }
0x1b: {  	p0 =	sne.s32 s10, s6  }
.Ltmp1:
0x1c: {  	[tilespmem:s12+$0x4F00] =	vst v0;
	(pc) =	sbr.rel @p0 .LBB2_1-.Ltmp1, $4  }
0x1d: {  	[hbm4b:s5+s3] =	stream.linear.scatter [tilespmem:s9], [sflag:$0x1], $0x2710, $0x38;
	[tilespmem:$0x7680] =	vst v63  }
0x1e: {  	_ =	swait.ge [sflag:s7], $0x2710  }
0x1f: {  	[sflag:s7] =	ssyncset.done $0x0  }
0x20: {  	[sflag:s7] =	ssyncadd.s32 $0xFFFFD8F0  }
0x21: {  	_ =	sfence.sel $0x180000  }
0x22: {  	[bflag:$0x0] =	sbarrier.arrive $0xFFFF  }
0x23: {  	p0 =	sne.s32 s0, $0x0;
	_ =	strace $0x90000047  }
0x24: {  	s0 =	sadd.s32 @!p0 $0x100000, s1;
	[bflag:$0x2] =	sbarrier.arrive $0xFFFF  }
0x25: {  	[sflag:s0] =	ssyncadd.tile.s32 @!p0 $0x1;
	_ =	shalt  }
.Lfunc_end2:
_tile_overlayer_lowered:
.L_overlay_start_2:
0x26: {  	(tag) =	ssettag $0x2  }
0x27: {  	s0 =	rddreg [dreg:$0x0];
	s2 =	stileid.u32  }
0x28: {  	s1 =	rddreg [dreg:$0x1];
	p0 =	sne.s32 s2, $0x0  }
0x29: {  	s3 =	rddreg [dreg:$0x2];
	[bflag:$0x3] =	sbarrier.arrive $0xFFFF;
	s2 =	simm.s32 @!p0 $0x1C01  }
0x2a: {  	[timem:s3], [sflag:s2] =	dma.local @!p0 [hbm:s0], s1  }
0x2b: {  	s0 =	simm.s32 @!p0 $0x1  }
0x2c: {  	_ =	swait.ge @!p0 [sflag:s0], s1  }
0x2d: {  	s1 =	ssub.s32 @!p0 $0x0, s1;
	[sflag:s0] =	ssyncset.done @!p0 $0x0  }
0x2e: {  	[sflag:s0] =	ssyncadd.s32 @!p0 s1  }
0x2f: {  	[bflag:$0x3] =	sbarrier.arrive $0xFFFF  }
0x30: {  	_ =	shalt  }

</sc_bundles>
